<compile_context>
chip_gen: v7x
topology: tpu7x:2x2x1
jax: 0.10.2.dev20260603
libtpu: 0.0.44.dev20260713+nightly
codegen_flags: <defaults>
</compile_context>

<pallas_src>
import functools

import jax
import jax.numpy as jnp
from jax import lax
from jax.experimental import pallas as pl
from jax.experimental.pallas import tpu as pltpu
from jax.experimental.pallas import tpu_sc as plsc

F32 = jnp.float32

_SC_NC = 2
_SC_NS = 16


def _sc_gather_body(table_hbm, idx_hbm, out_hbm, idx_v, rows_v, sem):
    wid = lax.axis_index("s") * _SC_NC + lax.axis_index("c")
    base = wid * 16
    pltpu.sync_copy(idx_hbm.at[pl.ds(base, 16)], idx_v)
    pltpu.async_copy(table_hbm.at[idx_v], rows_v, sem).wait()
    pltpu.sync_copy(rows_v, out_hbm.at[pl.ds(base, 16)])


def _sc_gather_rows(table, idx, interpret):
    n, d = idx.shape[0], table.shape[1]
    return pl.kernel(
        _sc_gather_body,
        out_type=jax.ShapeDtypeStruct((n, d), F32),
        mesh=plsc.VectorSubcoreMesh(core_axis_name="c", subcore_axis_name="s"),
        scratch_types=[
            pltpu.VMEM((16,), jnp.int32),
            pltpu.VMEM((16, d), F32),
            pltpu.SemaphoreType.DMA,
        ],
        interpret=interpret,
    )(table, idx)


def _pairwise_d2(q_ref, kt_ref, nq, nk):
    d2 = jnp.zeros((nq, nk), F32)
    for c in range(3):
        diff = q_ref[:, c:c + 1] - kt_ref[c:c + 1, :]
        d2 = d2 + diff * diff
    return d2


def _top3_weights(d2, nq, nk):
    iota = lax.broadcasted_iota(jnp.int32, (nq, nk), 1)
    inf = jnp.float32(jnp.inf)
    d = d2
    den = jnp.zeros((nq, 1), F32)
    for _ in range(3):
        m = jnp.min(d, axis=1, keepdims=True)
        tied = d == m
        jm = jnp.min(jnp.where(tied, iota, nk), axis=1, keepdims=True)
        den = den + 1.0 / jnp.maximum(m, 1e-16)
        d = jnp.where(iota == jm, inf, d)
    wt = jnp.where(d == inf, 1.0 / jnp.maximum(d2, 1e-16), jnp.zeros((), F32))
    return wt, den


def _stage_ab(g_ref, b2row_ref, x2_ref, w31a_ref, w31b_ref,
              b31_ref, w32_ref, b32_ref, pos1_ref, pos2t_ref, b1col_ref,
              x1_ref, w21a_ref, w21b_ref, b21_ref, w22_ref, b22_ref,
              h1_ref):
    h = jnp.dot(g_ref[...], w31a_ref[...], preferred_element_type=F32)
    h = h + jnp.dot(x2_ref[...], w31b_ref[...], preferred_element_type=F32)
    h = jnp.maximum(h + b31_ref[...], 0.0)
    h2 = jnp.dot(h, w32_ref[...], preferred_element_type=F32) + b32_ref[...]

    d2 = _pairwise_d2(pos1_ref, pos2t_ref, 2048, 512)
    mask = (b1col_ref[...] != b2row_ref[...]).astype(F32)
    d2 = d2 + mask * 1e10
    wt, den = _top3_weights(d2, 2048, 512)
    hi = jnp.dot(wt, h2, preferred_element_type=F32) / den
    h = jnp.dot(hi, w21a_ref[...], preferred_element_type=F32)
    h = h + jnp.dot(x1_ref[...], w21b_ref[...], preferred_element_type=F32)
    h = jnp.maximum(h + b21_ref[...], 0.0)
    h1_ref[...] = jnp.dot(h, w22_ref[...], preferred_element_type=F32) \
        + b22_ref[...]


def _interp3(pos0, b0col, pos1t_w, b1w, h1_w, bq, nk):
    d2 = jnp.zeros((bq, nk), F32)
    for c in range(3):
        diff = pos0[:, c:c + 1] - pos1t_w[c:c + 1, :]
        d2 = d2 + diff * diff
    mask = (b0col != b1w).astype(F32)
    d2 = d2 + mask * 1e10
    wt, den = _top3_weights(d2, bq, nk)
    num = jnp.dot(wt, h1_w, preferred_element_type=F32)
    return num / den


def _merged_knn_body(g_ref, b2row_ref, x2_ref, w31a_ref, w31b_ref, b31_ref,
                     w32_ref, b32_ref, pos1_ref, pos2t_ref, b1col_ref, x1_ref,
                     w21a_ref, w21b_ref, b21_ref, w22_ref, b22_ref,
                     pos0_ref, b0col_ref, pos1t_ref, b1row_ref,
                     hi_ref, h1_ref, *, bq, win):
    @pl.when(pl.program_id(0) == 0)
    def _ab():
        _stage_ab(g_ref, b2row_ref, x2_ref, w31a_ref, w31b_ref, b31_ref,
                  w32_ref, b32_ref, pos1_ref, pos2t_ref, b1col_ref, x1_ref,
                  w21a_ref, w21b_ref, b21_ref, w22_ref, b22_ref, h1_ref)

    b0col = b0col_ref[...]
    b1row = b1row_ref[...]
    b_first = jnp.min(b0col)
    b_last = jnp.max(b0col)
    lo = jnp.sum((b1row < b_first).astype(jnp.int32))
    hi_end = jnp.sum((b1row <= b_last).astype(jnp.int32))
    lo_al = jnp.minimum((lo // 128) * 128, 2048 - win)
    fits = (hi_end - lo_al) <= win

    @pl.when(fits)
    def _window_path():
        hi_ref[...] = _interp3(
            pos0_ref[...], b0col,
            pos1t_ref[:, pl.ds(lo_al, win)], b1row_ref[:, pl.ds(lo_al, win)],
            h1_ref[pl.ds(lo_al, win), :], bq, win)

    @pl.when(jnp.logical_not(fits))
    def _full_path():
        hi_ref[...] = _interp3(
            pos0_ref[...], b0col, pos1t_ref[...], b1row_ref[...],
            h1_ref[...], bq, 2048)


def _stage_c_mlp_body(hi_ref, x0_ref, w11a_ref, w11b_ref, b11_ref, w12_ref,
                      b12_ref, w13_ref, b13_ref, wf1_ref, bf1_ref, wf2_ref,
                      bf2_ref, out_ref):
    h = jnp.dot(hi_ref[...], w11a_ref[...], preferred_element_type=F32)
    h = h + jnp.dot(x0_ref[...], w11b_ref[...], preferred_element_type=F32)
    h = jnp.maximum(h + b11_ref[...], 0.0)
    h = jnp.maximum(
        jnp.dot(h, w12_ref[...], preferred_element_type=F32) + b12_ref[...],
        0.0)
    h = jnp.dot(h, w13_ref[...], preferred_element_type=F32) + b13_ref[...]
    h = jnp.maximum(
        jnp.dot(h, wf1_ref[...], preferred_element_type=F32) + bf1_ref[...],
        0.0)
    logit = jnp.dot(h, wf2_ref[...], preferred_element_type=F32) + bf2_ref[...]
    out_ref[...] = jax.nn.sigmoid(logit)


def _run(interpret, x0, pos0, batch0, x1, pos1, batch1, x2, pos2, batch2,
         x3, pos3, batch3, W31, b31, W32, b32, W21, b21, W22, b22,
         W11, b11, W12, b12, W13, b13, Wf1, bf1, Wf2, bf2):
    del pos3, batch3
    b2 = batch2.astype(jnp.int32)
    b1 = batch1.astype(jnp.int32)
    b0 = batch0.astype(jnp.int32)

    g = _sc_gather_rows(x3, b2, interpret)

    bq = 512
    win = 512
    grid = 8192 // bq
    full = lambda shape: pl.BlockSpec(shape, lambda i: (0,) * len(shape))
    blk = lambda shape: pl.BlockSpec(
        shape, lambda i: (i,) + (0,) * (len(shape) - 1))
    hi = pl.pallas_call(
        functools.partial(_merged_knn_body, bq=bq, win=win),
        grid=(grid,),
        in_specs=[
            full((512, 1024)), full((1, 512)), full((512, 256)),
            full((1024, 256)), full((256, 256)), full((1, 256)),
            full((256, 256)), full((1, 256)),
            full((2048, 3)), full((3, 512)), full((2048, 1)),
            full((2048, 128)),
            full((256, 256)), full((128, 256)), full((1, 256)),
            full((256, 128)), full((1, 128)),
            blk((bq, 3)), blk((bq, 1)),
            full((3, 2048)), full((1, 2048)),
        ],
        out_specs=blk((bq, 128)),
        out_shape=jax.ShapeDtypeStruct((8192, 128), F32),
        scratch_shapes=[pltpu.VMEM((2048, 128), F32)],
        interpret=interpret,
    )(
        g, b2[None, :], x2,
        W31[:1024], W31[1024:], b31[None, :], W32, b32[None, :],
        pos1, pos2.T, b1[:, None], x1,
        W21[:256], W21[256:], b21[None, :], W22, b22[None, :],
        pos0, b0[:, None], pos1.T, b1[None, :],
    )

    out = pl.pallas_call(
        _stage_c_mlp_body,
        out_shape=jax.ShapeDtypeStruct((8192, 1), F32),
        interpret=interpret,
    )(
        hi, x0,
        W11[:128], W11[128:], b11[None, :], W12, b12[None, :],
        W13, b13[None, :], Wf1, bf1[None, :], Wf2, bf2[None, :],
    )
    return out


def kernel(x0, pos0, batch0, x1, pos1, batch1, x2, pos2, batch2, x3, pos3,
           batch3, W31, b31, W32, b32, W21, b21, W22, b22, W11, b11, W12, b12,
           W13, b13, Wf1, bf1, Wf2, bf2):
    return _run(False, x0, pos0, batch0, x1, pos1, batch1, x2, pos2, batch2,
                x3, pos3, batch3, W31, b31, W32, b32, W21, b21, W22, b22,
                W11, b11, W12, b12, W13, b13, Wf1, bf1, Wf2, bf2)

# --- scband reference (transcript-rebuilt; emitter-appended) ---
"""Pipeline reference for scband-approach-point-predictor-1941325218390 (READ-ONLY COPY).

The authoritative reference and input builder live on the scoring server;
editing this copy changes nothing except your own understanding.
"""

import jax, jax.numpy as jnp
import numpy as np


def _knn_interpolate(x, pos, pos_skip, batch, batch_skip, k):
    d2 = jnp.sum((pos_skip[:, None, :] - pos[None, :, :]) ** 2, axis=-1)
    mask = (batch_skip[:, None] != batch[None, :]).astype(d2.dtype)
    d2 = d2 + mask * 1e10
    neg_vals, idx = jax.lax.top_k(-d2, k)
    sq = -neg_vals
    w = 1.0 / jnp.maximum(sq, 1e-16)
    gathered = jnp.take(x, idx, axis=0)
    num = jnp.sum(w[:, :, None] * gathered, axis=1)
    den = jnp.sum(w, axis=1, keepdims=True)
    return num / den


def _mlp(h, layers):
    n = len(layers)
    for i, (W, b) in enumerate(layers):
        h = h @ W + b
        if i < n - 1:
            h = jax.nn.relu(h)
    return h


def setup_inputs(seed: int = 0):
    key = jax.random.key(seed)
    ks = jax.random.split(key, 32)
    B = 16
    N0, N1, N2, N3 = 8192, 2048, 512, 16
    GFD = 1024

    def w(k_, shape):
        return jax.random.normal(k_, shape, dtype=jnp.float32) * 0.02

    inp = {}
    inp['x0'] = jax.random.normal(ks[0], (N0, 3), dtype=jnp.float32)
    inp['pos0'] = jax.random.normal(ks[1], (N0, 3), dtype=jnp.float32)
    inp['batch0'] = jnp.sort(jax.random.randint(ks[2], (N0,), 0, B))
    inp['x1'] = jax.random.normal(ks[3], (N1, 128), dtype=jnp.float32)
    inp['pos1'] = jax.random.normal(ks[4], (N1, 3), dtype=jnp.float32)
    inp['batch1'] = jnp.sort(jax.random.randint(ks[5], (N1,), 0, B))
    inp['x2'] = jax.random.normal(ks[6], (N2, 256), dtype=jnp.float32)
    inp['pos2'] = jax.random.normal(ks[7], (N2, 3), dtype=jnp.float32)
    inp['batch2'] = jnp.sort(jax.random.randint(ks[8], (N2,), 0, B))
    inp['x3'] = jax.random.normal(ks[9], (N3, GFD), dtype=jnp.float32)
    inp['pos3'] = jax.random.normal(ks[10], (N3, 3), dtype=jnp.float32)
    inp['batch3'] = jnp.arange(N3)
    inp['W31'] = w(ks[11], (GFD + 256, 256)); inp['b31'] = jnp.zeros((256,), jnp.float32)
    inp['W32'] = w(ks[12], (256, 256)); inp['b32'] = jnp.zeros((256,), jnp.float32)
    inp['W21'] = w(ks[13], (256 + 128, 256)); inp['b21'] = jnp.zeros((256,), jnp.float32)
    inp['W22'] = w(ks[14], (256, 128)); inp['b22'] = jnp.zeros((128,), jnp.float32)
    inp['W11'] = w(ks[15], (128 + 3, 128)); inp['b11'] = jnp.zeros((128,), jnp.float32)
    inp['W12'] = w(ks[16], (128, 128)); inp['b12'] = jnp.zeros((128,), jnp.float32)
    inp['W13'] = w(ks[17], (128, 128)); inp['b13'] = jnp.zeros((128,), jnp.float32)
    inp['Wf1'] = w(ks[18], (128, 64)); inp['bf1'] = jnp.zeros((64,), jnp.float32)
    inp['Wf2'] = w(ks[19], (64, 1)); inp['bf2'] = jnp.zeros((1,), jnp.float32)
    return inp


def reference(x0, pos0, batch0, x1, pos1, batch1, x2, pos2, batch2, x3, pos3, batch3, W31, b31, W32, b32, W21, b21, W22, b22, W11, b11, W12, b12, W13, b13, Wf1, bf1, Wf2, bf2):
    # fp3: k=1 interpolation from sa3 (global) to sa2 resolution
    h = _knn_interpolate(x3, pos3, pos2, batch3, batch2, 1)
    h = jnp.concatenate([h, x2], axis=1)
    h = _mlp(h, [(W31, b31), (W32, b32)])
    # fp2: k=3
    h = _knn_interpolate(h, pos2, pos1, batch2, batch1, 3)
    h = jnp.concatenate([h, x1], axis=1)
    h = _mlp(h, [(W21, b21), (W22, b22)])
    # fp1: k=3
    h = _knn_interpolate(h, pos1, pos0, batch1, batch0, 3)
    h = jnp.concatenate([h, x0], axis=1)
    h = _mlp(h, [(W11, b11), (W12, b12), (W13, b13)])
    # final head: Linear -> ReLU -> Dropout(eval: identity) -> Linear -> Sigmoid
    h = jax.nn.relu(h @ Wf1 + bf1)
    out = jax.nn.sigmoid(h @ Wf2 + bf2)
    return out

if __name__ == "__main__":
    import jax
    _d = setup_inputs()
    print(jax.jit(kernel)(*tuple(_d.values())))

</pallas_src>

<mosaic_0001>
#map = affine_map<(d0, d1) -> (0, 0)>
#map1 = affine_map<(d0, d1) -> (0)>
module attributes {stable_mosaic.version = 14 : i64} {
  func.func @_sc_gather_body(%arg0: i32, %arg1: i32, %arg2: memref<16x1024xf32, #tpu.memory_space<hbm>>, %arg3: memref<512xi32, #tpu.memory_space<hbm>>, %arg4: memref<512x1024xf32, #tpu.memory_space<hbm>>, %arg5: memref<16xi32, #tpu.memory_space<vmem>>, %arg6: memref<16x1024xf32, #tpu.memory_space<vmem>>, %arg7: memref<!tpu.dma_semaphore, #tpu.memory_space<semaphore_mem>>) attributes {dimension_semantics = [#tpu.dimension_semantics<core_parallel>, #tpu.dimension_semantics<subcore_parallel>], iteration_bounds = array<i64: 2, 16>, scalar_prefetch = 0 : i64, scratch_operands = 3 : i64, tpu.core_type = #tpu.core_type<sc_vector_subcore>, window_params = [{transform_indices = #map}, {transform_indices = #map1}, {transform_indices = #map}]} {
    %mul3A = arith.constant 2 : i32
    %mul3A_0 = arith.muli %arg1, %mul3A : i32
    %add3A = arith.addi %mul3A_0, %arg0 : i32
    %mul3A_1 = arith.constant 16 : i32
    %mul3A_2 = arith.muli %add3A, %mul3A_1 : i32
    "tpu.region"() ({
      %run_scoped3A = tpu.sem_alloc : memref<!tpu.dma_semaphore, #tpu.memory_space<semaphore_mem>>
      %dma_start3A_7 = tpu.memref_slice %arg3[%mul3A_2] : memref<512xi32, #tpu.memory_space<hbm>> -> memref<16xi32, #tpu.memory_space<hbm>>
      %dma_start3A_8 = tpu.memref_slice %arg3[%mul3A_2] : memref<512xi32, #tpu.memory_space<hbm>> -> memref<16xi32, #tpu.memory_space<hbm>>
      tpu.enqueue_dma source(%dma_start3A_8 : memref<16xi32, #tpu.memory_space<hbm>>) target(%arg5 : memref<16xi32, #tpu.memory_space<vmem>>) target_semaphore(%run_scoped3A : memref<!tpu.dma_semaphore, #tpu.memory_space<semaphore_mem>>)
      %dma_wait3A_9 = tpu.memref_slice %arg3[%mul3A_2] : memref<512xi32, #tpu.memory_space<hbm>> -> memref<16xi32, #tpu.memory_space<hbm>>
      %dma_wait3A_10 = tpu.memref_slice %arg3[%mul3A_2] : memref<512xi32, #tpu.memory_space<hbm>> -> memref<16xi32, #tpu.memory_space<hbm>>
      tpu.wait_dma2 semaphore(%run_scoped3A : memref<!tpu.dma_semaphore, #tpu.memory_space<semaphore_mem>>) src(%dma_wait3A_10 : memref<16xi32, #tpu.memory_space<hbm>>) dst(%arg5 : memref<16xi32, #tpu.memory_space<vmem>>)
      tpu.yield
    }) : () -> ()
    %dma_start3A = arith.constant 0 : i32
    %dma_start3A_3 = arith.constant 0 : i32
    %dma_start3A_4 = tpu.memref_slice %arg2[%dma_start3A, %dma_start3A_3] : memref<16x1024xf32, #tpu.memory_space<hbm>> -> memref<16x1024xf32, #tpu.memory_space<hbm>>
    tpu.enqueue_indirect_dma source(%dma_start3A_4 : memref<16x1024xf32, #tpu.memory_space<hbm>>) target(%arg6 : memref<16x1024xf32, #tpu.memory_space<vmem>>) offsets(%arg5 : memref<16xi32, #tpu.memory_space<vmem>>) semaphore(%arg7 : memref<!tpu.dma_semaphore, #tpu.memory_space<semaphore_mem>>)
    %dma_wait3A = arith.constant 0 : i32
    %dma_wait3A_5 = arith.constant 0 : i32
    %dma_wait3A_6 = tpu.memref_slice %arg2[%dma_wait3A, %dma_wait3A_5] : memref<16x1024xf32, #tpu.memory_space<hbm>> -> memref<16x1024xf32, #tpu.memory_space<hbm>>
    tpu.wait_indirect_dma semaphore(%arg7 : memref<!tpu.dma_semaphore, #tpu.memory_space<semaphore_mem>>) src(%dma_wait3A_6 : memref<16x1024xf32, #tpu.memory_space<hbm>>) dst(%arg6 : memref<16x1024xf32, #tpu.memory_space<vmem>>)
    "tpu.region"() ({
      %run_scoped3A = tpu.sem_alloc : memref<!tpu.dma_semaphore, #tpu.memory_space<semaphore_mem>>
      %dma_start3A_7 = arith.constant 0 : i32
      %dma_start3A_8 = tpu.memref_slice %arg4[%mul3A_2, %dma_start3A_7] : memref<512x1024xf32, #tpu.memory_space<hbm>> -> memref<16x1024xf32, #tpu.memory_space<hbm>>
      %dma_start3A_9 = arith.constant 0 : i32
      %dma_start3A_10 = tpu.memref_slice %arg4[%mul3A_2, %dma_start3A_9] : memref<512x1024xf32, #tpu.memory_space<hbm>> -> memref<16x1024xf32, #tpu.memory_space<hbm>>
      tpu.enqueue_dma source(%arg6 : memref<16x1024xf32, #tpu.memory_space<vmem>>) target(%dma_start3A_10 : memref<16x1024xf32, #tpu.memory_space<hbm>>) target_semaphore(%run_scoped3A : memref<!tpu.dma_semaphore, #tpu.memory_space<semaphore_mem>>)
      %dma_wait3A_11 = arith.constant 0 : i32
      %dma_wait3A_12 = tpu.memref_slice %arg4[%mul3A_2, %dma_wait3A_11] : memref<512x1024xf32, #tpu.memory_space<hbm>> -> memref<16x1024xf32, #tpu.memory_space<hbm>>
      %dma_wait3A_13 = arith.constant 0 : i32
      %dma_wait3A_14 = tpu.memref_slice %arg4[%mul3A_2, %dma_wait3A_13] : memref<512x1024xf32, #tpu.memory_space<hbm>> -> memref<16x1024xf32, #tpu.memory_space<hbm>>
      tpu.wait_dma2 semaphore(%run_scoped3A : memref<!tpu.dma_semaphore, #tpu.memory_space<semaphore_mem>>) src(%arg6 : memref<16x1024xf32, #tpu.memory_space<vmem>>) dst(%dma_wait3A_14 : memref<16x1024xf32, #tpu.memory_space<hbm>>)
      tpu.yield
    }) : () -> ()
    return
  }
}

module attributes {stable_mosaic.version = 14 : i64} {
  func.func @_stage_c_mlp_body(%arg0: memref<8192x128xf32, #tpu.memory_space<vmem>>, %arg1: memref<8192x3xf32, #tpu.memory_space<vmem>>, %arg2: memref<128x128xf32, #tpu.memory_space<vmem>>, %arg3: memref<3x128xf32, #tpu.memory_space<vmem>>, %arg4: memref<1x128xf32, #tpu.memory_space<vmem>>, %arg5: memref<128x128xf32, #tpu.memory_space<vmem>>, %arg6: memref<1x128xf32, #tpu.memory_space<vmem>>, %arg7: memref<128x128xf32, #tpu.memory_space<vmem>>, %arg8: memref<1x128xf32, #tpu.memory_space<vmem>>, %arg9: memref<128x64xf32, #tpu.memory_space<vmem>>, %arg10: memref<1x64xf32, #tpu.memory_space<vmem>>, %arg11: memref<64x1xf32, #tpu.memory_space<vmem>>, %arg12: memref<1x1xf32, #tpu.memory_space<vmem>>, %arg13: memref<8192x1xf32, #tpu.memory_space<vmem>>) attributes {dimension_semantics = [], scalar_prefetch = 0 : i64, scratch_operands = 0 : i64, tpu.core_type = #tpu.core_type<tc>} {
    %get3A = arith.constant 0 : index
    %get3A_0 = arith.constant 0 : index
    %get3A_1 = vector.load %arg0[%get3A, %get3A_0] : memref<8192x128xf32, #tpu.memory_space<vmem>>, vector<8192x128xf32>
    %get3A_2 = arith.constant 0 : index
    %get3A_3 = arith.constant 0 : index
    %get3A_4 = vector.load %arg2[%get3A_2, %get3A_3] : memref<128x128xf32, #tpu.memory_space<vmem>>, vector<128x128xf32>
    %dot_general3A = arith.constant dense<0.000000e+00> : vector<8192x128xf32>
    %dot_general3A_5 = tpu.matmul %get3A_1, %get3A_4, %dot_general3A {dimension_numbers = #tpu.dot_dimension_numbers<[1], [0], [0], [1], [0, 0, 1, 1], [], []>, transpose_lhs_hint = false} : vector<8192x128xf32>, vector<128x128xf32>, vector<8192x128xf32> -> vector<8192x128xf32>
    %get3A_6 = arith.constant 0 : index
    %get3A_7 = arith.constant 0 : index
    %get3A_8 = vector.load %arg1[%get3A_6, %get3A_7] : memref<8192x3xf32, #tpu.memory_space<vmem>>, vector<8192x3xf32>
    %get3A_9 = arith.constant 0 : index
    %get3A_10 = arith.constant 0 : index
    %get3A_11 = vector.load %arg3[%get3A_9, %get3A_10] : memref<3x128xf32, #tpu.memory_space<vmem>>, vector<3x128xf32>
    %dot_general3A_12 = arith.constant dense<0.000000e+00> : vector<8192x128xf32>
    %dot_general3A_13 = tpu.matmul %get3A_8, %get3A_11, %dot_general3A_12 {dimension_numbers = #tpu.dot_dimension_numbers<[1], [0], [0], [1], [0, 0, 1, 1], [], []>, transpose_lhs_hint = false} : vector<8192x3xf32>, vector<3x128xf32>, vector<8192x128xf32> -> vector<8192x128xf32>
    %add3A = arith.addf %dot_general3A_5, %dot_general3A_13 : vector<8192x128xf32>
    %get3A_14 = arith.constant 0 : index
    %get3A_15 = arith.constant 0 : index
    %get3A_16 = vector.load %arg4[%get3A_14, %get3A_15] : memref<1x128xf32, #tpu.memory_space<vmem>>, vector<1x128xf32>
    %add3A_17 = vector.broadcast %get3A_16 : vector<1x128xf32> to vector<8192x128xf32>
    %add3A_18 = arith.addf %add3A, %add3A_17 : vector<8192x128xf32>
    %max3A = arith.constant 0.000000e+00 : f32
    %max3A_19 = vector.broadcast %max3A : f32 to vector<8192x128xf32>
    %max3A_20 = arith.maximumf %add3A_18, %max3A_19 : vector<8192x128xf32>
    %get3A_21 = arith.constant 0 : index
    %get3A_22 = arith.constant 0 : index
    %get3A_23 = vector.load %arg5[%get3A_21, %get3A_22] : memref<128x128xf32, #tpu.memory_space<vmem>>, vector<128x128xf32>
    %dot_general3A_24 = arith.constant dense<0.000000e+00> : vector<8192x128xf32>
    %dot_general3A_25 = tpu.matmul %max3A_20, %get3A_23, %dot_general3A_24 {dimension_numbers = #tpu.dot_dimension_numbers<[1], [0], [0], [1], [0, 0, 1, 1], [], []>, transpose_lhs_hint = false} : vector<8192x128xf32>, vector<128x128xf32>, vector<8192x128xf32> -> vector<8192x128xf32>
    %get3A_26 = arith.constant 0 : index
    %get3A_27 = arith.constant 0 : index
    %get3A_28 = vector.load %arg6[%get3A_26, %get3A_27] : memref<1x128xf32, #tpu.memory_space<vmem>>, vector<1x128xf32>
    %add3A_29 = vector.broadcast %get3A_28 : vector<1x128xf32> to vector<8192x128xf32>
    %add3A_30 = arith.addf %dot_general3A_25, %add3A_29 : vector<8192x128xf32>
    %max3A_31 = arith.constant 0.000000e+00 : f32
    %max3A_32 = vector.broadcast %max3A_31 : f32 to vector<8192x128xf32>
    %max3A_33 = arith.maximumf %add3A_30, %max3A_32 : vector<8192x128xf32>
    %get3A_34 = arith.constant 0 : index
    %get3A_35 = arith.constant 0 : index
    %get3A_36 = vector.load %arg7[%get3A_34, %get3A_35] : memref<128x128xf32, #tpu.memory_space<vmem>>, vector<128x128xf32>
    %dot_general3A_37 = arith.constant dense<0.000000e+00> : vector<8192x128xf32>
    %dot_general3A_38 = tpu.matmul %max3A_33, %get3A_36, %dot_general3A_37 {dimension_numbers = #tpu.dot_dimension_numbers<[1], [0], [0], [1], [0, 0, 1, 1], [], []>, transpose_lhs_hint = false} : vector<8192x128xf32>, vector<128x128xf32>, vector<8192x128xf32> -> vector<8192x128xf32>
    %get3A_39 = arith.constant 0 : index
    %get3A_40 = arith.constant 0 : index
    %get3A_41 = vector.load %arg8[%get3A_39, %get3A_40] : memref<1x128xf32, #tpu.memory_space<vmem>>, vector<1x128xf32>
    %add3A_42 = vector.broadcast %get3A_41 : vector<1x128xf32> to vector<8192x128xf32>
    %add3A_43 = arith.addf %dot_general3A_38, %add3A_42 : vector<8192x128xf32>
    %get3A_44 = arith.constant 0 : index
    %get3A_45 = arith.constant 0 : index
    %get3A_46 = vector.load %arg9[%get3A_44, %get3A_45] : memref<128x64xf32, #tpu.memory_space<vmem>>, vector<128x64xf32>
    %dot_general3A_47 = arith.constant dense<0.000000e+00> : vector<8192x64xf32>
    %dot_general3A_48 = tpu.matmul %add3A_43, %get3A_46, %dot_general3A_47 {dimension_numbers = #tpu.dot_dimension_numbers<[1], [0], [0], [1], [0, 0, 1, 1], [], []>, transpose_lhs_hint = false} : vector<8192x128xf32>, vector<128x64xf32>, vector<8192x64xf32> -> vector<8192x64xf32>
    %get3A_49 = arith.constant 0 : index
    %get3A_50 = arith.constant 0 : index
    %get3A_51 = vector.load %arg10[%get3A_49, %get3A_50] : memref<1x64xf32, #tpu.memory_space<vmem>>, vector<1x64xf32>
    %add3A_52 = vector.broadcast %get3A_51 : vector<1x64xf32> to vector<8192x64xf32>
    %add3A_53 = arith.addf %dot_general3A_48, %add3A_52 : vector<8192x64xf32>
    %max3A_54 = arith.constant 0.000000e+00 : f32
    %max3A_55 = vector.broadcast %max3A_54 : f32 to vector<8192x64xf32>
    %max3A_56 = arith.maximumf %add3A_53, %max3A_55 : vector<8192x64xf32>
    %get3A_57 = arith.constant 0 : index
    %get3A_58 = arith.constant 0 : index
    %get3A_59 = vector.load %arg11[%get3A_57, %get3A_58] : memref<64x1xf32, #tpu.memory_space<vmem>>, vector<64x1xf32>
    %dot_general3A_60 = arith.constant dense<0.000000e+00> : vector<8192x1xf32>
    %dot_general3A_61 = tpu.matmul %max3A_56, %get3A_59, %dot_general3A_60 {dimension_numbers = #tpu.dot_dimension_numbers<[1], [0], [0], [1], [0, 0, 1, 1], [], []>, transpose_lhs_hint = false} : vector<8192x64xf32>, vector<64x1xf32>, vector<8192x1xf32> -> vector<8192x1xf32>
    %get3A_62 = arith.constant 0 : index
    %get3A_63 = arith.constant 0 : index
    %get3A_64 = vector.load %arg12[%get3A_62, %get3A_63] : memref<1x1xf32, #tpu.memory_space<vmem>>, vector<1x1xf32>
    %add3A_65 = vector.broadcast %get3A_64 : vector<1x1xf32> to vector<8192x1xf32>
    %add3A_66 = arith.addf %dot_general3A_61, %add3A_65 : vector<8192x1xf32>
    %logistic3A = arith.negf %add3A_66 : vector<8192x1xf32>
    %logistic3A_67 = math.exp %logistic3A : vector<8192x1xf32>
    %logistic3A_68 = arith.constant 1.000000e+00 : f32
    %logistic3A_69 = vector.broadcast %logistic3A_68 : f32 to vector<8192x1xf32>
    %logistic3A_70 = arith.addf %logistic3A_69, %logistic3A_67 : vector<8192x1xf32>
    %logistic3A_71 = arith.divf %logistic3A_69, %logistic3A_70 : vector<8192x1xf32>
    %swap3A = arith.constant 0 : index
    %swap3A_72 = arith.constant 0 : index
    %swap3A_73 = vector.load %arg13[%swap3A, %swap3A_72] : memref<8192x1xf32, #tpu.memory_space<vmem>>, vector<8192x1xf32>
    tpu.vector_store %arg13[%swap3A, %swap3A_72], %logistic3A_71 {strides = array<i32>} : memref<8192x1xf32, #tpu.memory_space<vmem>>, vector<8192x1xf32>,
    return
  }
}

module attributes {stable_mosaic.version = 14 : i64} {
  func.func @_merged_knn_body(%arg0: i32, %arg1: memref<512x1024xf32, #tpu.memory_space<vmem>>, %arg2: memref<1x512xi32, #tpu.memory_space<vmem>>, %arg3: memref<512x256xf32, #tpu.memory_space<vmem>>, %arg4: memref<1024x256xf32, #tpu.memory_space<vmem>>, %arg5: memref<256x256xf32, #tpu.memory_space<vmem>>, %arg6: memref<1x256xf32, #tpu.memory_space<vmem>>, %arg7: memref<256x256xf32, #tpu.memory_space<vmem>>, %arg8: memref<1x256xf32, #tpu.memory_space<vmem>>, %arg9: memref<2048x3xf32, #tpu.memory_space<vmem>>, %arg10: memref<3x512xf32, #tpu.memory_space<vmem>>, %arg11: memref<2048x1xi32, #tpu.memory_space<vmem>>, %arg12: memref<2048x128xf32, #tpu.memory_space<vmem>>, %arg13: memref<256x256xf32, #tpu.memory_space<vmem>>, %arg14: memref<128x256xf32, #tpu.memory_space<vmem>>, %arg15: memref<1x256xf32, #tpu.memory_space<vmem>>, %arg16: memref<256x128xf32, #tpu.memory_space<vmem>>, %arg17: memref<1x128xf32, #tpu.memory_space<vmem>>, %arg18: memref<512x3xf32, #tpu.memory_space<vmem>>, %arg19: memref<512x1xi32, #tpu.memory_space<vmem>>, %arg20: memref<3x2048xf32, #tpu.memory_space<vmem>>, %arg21: memref<1x2048xi32, #tpu.memory_space<vmem>>, %arg22: memref<512x128xf32, #tpu.memory_space<vmem>>, %arg23: memref<2048x128xf32, #tpu.memory_space<vmem>>) attributes {dimension_semantics = [#tpu.dimension_semantics<arbitrary>], iteration_bounds = array<i64: 16>, scalar_prefetch = 0 : i64, scratch_operands = 1 : i64, tpu.core_type = #tpu.core_type<tc>, window_params = [{pipeline_mode = #tpu.pipeline_mode<synchronous>, transform_indices = @transform_0, window_bounds = array<i64: 512, 1024>}, {pipeline_mode = #tpu.pipeline_mode<synchronous>, transform_indices = @transform_1, window_bounds = array<i64: 1, 512>}, {pipeline_mode = #tpu.pipeline_mode<synchronous>, transform_indices = @transform_2, window_bounds = array<i64: 512, 256>}, {pipeline_mode = #tpu.pipeline_mode<synchronous>, transform_indices = @transform_3, window_bounds = array<i64: 1024, 256>}, {pipeline_mode = #tpu.pipeline_mode<synchronous>, transform_indices = @transform_4, window_bounds = array<i64: 256, 256>}, {pipeline_mode = #tpu.pipeline_mode<synchronous>, transform_indices = @transform_5, window_bounds = array<i64: 1, 256>}, {pipeline_mode = #tpu.pipeline_mode<synchronous>, transform_indices = @transform_6, window_bounds = array<i64: 256, 256>}, {pipeline_mode = #tpu.pipeline_mode<synchronous>, transform_indices = @transform_7, window_bounds = array<i64: 1, 256>}, {pipeline_mode = #tpu.pipeline_mode<synchronous>, transform_indices = @transform_8, window_bounds = array<i64: 2048, 3>}, {pipeline_mode = #tpu.pipeline_mode<synchronous>, transform_indices = @transform_9, window_bounds = array<i64: 3, 512>}, {pipeline_mode = #tpu.pipeline_mode<synchronous>, transform_indices = @transform_10, window_bounds = array<i64: 2048, 1>}, {pipeline_mode = #tpu.pipeline_mode<synchronous>, transform_indices = @transform_11, window_bounds = array<i64: 2048, 128>}, {pipeline_mode = #tpu.pipeline_mode<synchronous>, transform_indices = @transform_12, window_bounds = array<i64: 256, 256>}, {pipeline_mode = #tpu.pipeline_mode<synchronous>, transform_indices = @transform_13, window_bounds = array<i64: 128, 256>}, {pipeline_mode = #tpu.pipeline_mode<synchronous>, transform_indices = @transform_14, window_bounds = array<i64: 1, 256>}, {pipeline_mode = #tpu.pipeline_mode<synchronous>, transform_indices = @transform_15, window_bounds = array<i64: 256, 128>}, {pipeline_mode = #tpu.pipeline_mode<synchronous>, transform_indices = @transform_16, window_bounds = array<i64: 1, 128>}, {transform_indices = @transform_17, window_bounds = array<i64: 512, 3>}, {transform_indices = @transform_18, window_bounds = array<i64: 512, 1>}, {pipeline_mode = #tpu.pipeline_mode<synchronous>, transform_indices = @transform_19, window_bounds = array<i64: 3, 2048>}, {pipeline_mode = #tpu.pipeline_mode<synchronous>, transform_indices = @transform_20, window_bounds = array<i64: 1, 2048>}, {transform_indices = @transform_21, window_bounds = array<i64: 512, 128>}]} {
    %eq3A = arith.constant 0 : i32
    %eq3A_0 = arith.cmpi eq, %arg0, %eq3A : i32
    %convert_element_type3A = arith.extui %eq3A_0 : i1 to i32
    %cond3A = arith.constant 0 : i32
    %cond3A_1 = arith.cmpi ne, %convert_element_type3A, %cond3A : i32
    scf.if %cond3A_1 {
      %get3A_56 = arith.constant 0 : index
      %get3A_57 = arith.constant 0 : index
      %get3A_58 = vector.load %arg1[%get3A_56, %get3A_57] : memref<512x1024xf32, #tpu.memory_space<vmem>>, vector<512x1024xf32>
      %get3A_59 = arith.constant 0 : index
      %get3A_60 = arith.constant 0 : index
      %get3A_61 = vector.load %arg4[%get3A_59, %get3A_60] : memref<1024x256xf32, #tpu.memory_space<vmem>>, vector<1024x256xf32>
      %dot_general3A = arith.constant dense<0.000000e+00> : vector<512x256xf32>
      %dot_general3A_62 = tpu.matmul %get3A_58, %get3A_61, %dot_general3A {dimension_numbers = #tpu.dot_dimension_numbers<[1], [0], [0], [1], [0, 0, 1, 1], [], []>, transpose_lhs_hint = false} : vector<512x1024xf32>, vector<1024x256xf32>, vector<512x256xf32> -> vector<512x256xf32>
      %get3A_63 = arith.constant 0 : index
      %get3A_64 = arith.constant 0 : index
      %get3A_65 = vector.load %arg3[%get3A_63, %get3A_64] : memref<512x256xf32, #tpu.memory_space<vmem>>, vector<512x256xf32>
      %get3A_66 = arith.constant 0 : index
      %get3A_67 = arith.constant 0 : index
      %get3A_68 = vector.load %arg5[%get3A_66, %get3A_67] : memref<256x256xf32, #tpu.memory_space<vmem>>, vector<256x256xf32>
      %dot_general3A_69 = arith.constant dense<0.000000e+00> : vector<512x256xf32>
      %dot_general3A_70 = tpu.matmul %get3A_65, %get3A_68, %dot_general3A_69 {dimension_numbers = #tpu.dot_dimension_numbers<[1], [0], [0], [1], [0, 0, 1, 1], [], []>, transpose_lhs_hint = false} : vector<512x256xf32>, vector<256x256xf32>, vector<512x256xf32> -> vector<512x256xf32>
      %add3A = arith.addf %dot_general3A_62, %dot_general3A_70 : vector<512x256xf32>
      %get3A_71 = arith.constant 0 : index
      %get3A_72 = arith.constant 0 : index
      %get3A_73 = vector.load %arg6[%get3A_71, %get3A_72] : memref<1x256xf32, #tpu.memory_space<vmem>>, vector<1x256xf32>
      %add3A_74 = vector.broadcast %get3A_73 : vector<1x256xf32> to vector<512x256xf32>
      %add3A_75 = arith.addf %add3A, %add3A_74 : vector<512x256xf32>
      %max3A = arith.constant 0.000000e+00 : f32
      %max3A_76 = vector.broadcast %max3A : f32 to vector<512x256xf32>
      %max3A_77 = arith.maximumf %add3A_75, %max3A_76 : vector<512x256xf32>
      %get3A_78 = arith.constant 0 : index
      %get3A_79 = arith.constant 0 : index
      %get3A_80 = vector.load %arg7[%get3A_78, %get3A_79] : memref<256x256xf32, #tpu.memory_space<vmem>>, vector<256x256xf32>
      %dot_general3A_81 = arith.constant dense<0.000000e+00> : vector<512x256xf32>
      %dot_general3A_82 = tpu.matmul %max3A_77, %get3A_80, %dot_general3A_81 {dimension_numbers = #tpu.dot_dimension_numbers<[1], [0], [0], [1], [0, 0, 1, 1], [], []>, transpose_lhs_hint = false} : vector<512x256xf32>, vector<256x256xf32>, vector<512x256xf32> -> vector<512x256xf32>
      %get3A_83 = arith.constant 0 : index
      %get3A_84 = arith.constant 0 : index
      %get3A_85 = vector.load %arg8[%get3A_83, %get3A_84] : memref<1x256xf32, #tpu.memory_space<vmem>>, vector<1x256xf32>
      %add3A_86 = vector.broadcast %get3A_85 : vector<1x256xf32> to vector<512x256xf32>
      %add3A_87 = arith.addf %dot_general3A_82, %add3A_86 : vector<512x256xf32>
      %broadcast_in_dim3A = arith.constant 0.000000e+00 : f32
      %broadcast_in_dim3A_88 = vector.broadcast %broadcast_in_dim3A : f32 to vector<2048x512xf32>
      %get3A_89 = arith.constant 0 : index
      %get3A_90 = arith.constant 0 : index
      %get3A_91 = vector.load %arg9[%get3A_89, %get3A_90] : memref<2048x3xf32, #tpu.memory_space<vmem>>, vector<2048x1xf32>
      %get3A_92 = arith.constant 0 : index
      %get3A_93 = arith.constant 0 : index
      %get3A_94 = vector.load %arg10[%get3A_92, %get3A_93] : memref<3x512xf32, #tpu.memory_space<vmem>>, vector<1x512xf32>
      %sub3A_95 = vector.broadcast %get3A_91 : vector<2048x1xf32> to vector<2048x512xf32>
      %sub3A_96 = vector.broadcast %get3A_94 : vector<1x512xf32> to vector<2048x512xf32>
      %sub3A_97 = arith.subf %sub3A_95, %sub3A_96 : vector<2048x512xf32>
      %mul3A_98 = arith.mulf %sub3A_97, %sub3A_97 : vector<2048x512xf32>
      %add3A_99 = arith.addf %broadcast_in_dim3A_88, %mul3A_98 : vector<2048x512xf32>
      %get3A_100 = arith.constant 0 : index
      %get3A_101 = arith.constant 1 : index
      %get3A_102 = vector.load %arg9[%get3A_100, %get3A_101] : memref<2048x3xf32, #tpu.memory_space<vmem>>, vector<2048x1xf32>
      %get3A_103 = arith.constant 1 : index
      %get3A_104 = arith.constant 0 : index
      %get3A_105 = vector.load %arg10[%get3A_103, %get3A_104] : memref<3x512xf32, #tpu.memory_space<vmem>>, vector<1x512xf32>
      %sub3A_106 = vector.broadcast %get3A_102 : vector<2048x1xf32> to vector<2048x512xf32>
      %sub3A_107 = vector.broadcast %get3A_105 : vector<1x512xf32> to vector<2048x512xf32>
      %sub3A_108 = arith.subf %sub3A_106, %sub3A_107 : vector<2048x512xf32>
      %mul3A_109 = arith.mulf %sub3A_108, %sub3A_108 : vector<2048x512xf32>
      %add3A_110 = arith.addf %add3A_99, %mul3A_109 : vector<2048x512xf32>
      %get3A_111 = arith.constant 0 : index
      %get3A_112 = arith.constant 2 : index
      %get3A_113 = vector.load %arg9[%get3A_111, %get3A_112] : memref<2048x3xf32, #tpu.memory_space<vmem>>, vector<2048x1xf32>
      %get3A_114 = arith.constant 2 : index
      %get3A_115 = arith.constant 0 : index
      %get3A_116 = vector.load %arg10[%get3A_114, %get3A_115] : memref<3x512xf32, #tpu.memory_space<vmem>>, vector<1x512xf32>
      %sub3A_117 = vector.broadcast %get3A_113 : vector<2048x1xf32> to vector<2048x512xf32>
      %sub3A_118 = vector.broadcast %get3A_116 : vector<1x512xf32> to vector<2048x512xf32>
      %sub3A_119 = arith.subf %sub3A_117, %sub3A_118 : vector<2048x512xf32>
      %mul3A_120 = arith.mulf %sub3A_119, %sub3A_119 : vector<2048x512xf32>
      %add3A_121 = arith.addf %add3A_110, %mul3A_120 : vector<2048x512xf32>
      %get3A_122 = arith.constant 0 : index
      %get3A_123 = arith.constant 0 : index
      %get3A_124 = vector.load %arg11[%get3A_122, %get3A_123] : memref<2048x1xi32, #tpu.memory_space<vmem>>, vector<2048x1xi32>
      %get3A_125 = arith.constant 0 : index
      %get3A_126 = arith.constant 0 : index
      %get3A_127 = vector.load %arg2[%get3A_125, %get3A_126] : memref<1x512xi32, #tpu.memory_space<vmem>>, vector<1x512xi32>
      %ne3A_128 = vector.broadcast %get3A_124 : vector<2048x1xi32> to vector<2048x512xi32>
      %ne3A_129 = vector.broadcast %get3A_127 : vector<1x512xi32> to vector<2048x512xi32>
      %ne3A_130 = arith.cmpi ne, %ne3A_128, %ne3A_129 : vector<2048x512xi32>
      %convert_element_type3A_131 = arith.extui %ne3A_130 : vector<2048x512xi1> to vector<2048x512xi32>
      %convert_element_type3A_132 = arith.sitofp %convert_element_type3A_131 : vector<2048x512xi32> to vector<2048x512xf32>
      %mul3A_133 = arith.constant 1.000000e+10 : f32
      %mul3A_134 = vector.broadcast %mul3A_133 : f32 to vector<2048x512xf32>
      %mul3A_135 = arith.mulf %convert_element_type3A_132, %mul3A_134 : vector<2048x512xf32>
      %add3A_136 = arith.addf %add3A_121, %mul3A_135 : vector<2048x512xf32>
      %iota3A = tpu.iota {dimensions = array<i32: 1>} : vector<2048x512xi32>
      %broadcast_in_dim3A_137 = arith.constant 0.000000e+00 : f32
      %broadcast_in_dim3A_138 = vector.broadcast %broadcast_in_dim3A_137 : f32 to vector<2048x1xf32>
      %reduce_min3A_139 = arith.constant dense<0x7F800000> : vector<2048xf32>
      %reduce_min3A_140 = vector.multi_reduction <minimumf>, %add3A_136, %reduce_min3A_139 [1] : vector<2048x512xf32> to vector<2048xf32>
      %broadcast_in_dim3A_141 = vector.shape_cast %reduce_min3A_140 : vector<2048xf32> to vector<2048x1xf32>
      %eq3A_142 = vector.broadcast %broadcast_in_dim3A_141 : vector<2048x1xf32> to vector<2048x512xf32>
      %eq3A_143 = arith.cmpf oeq, %add3A_136, %eq3A_142 : vector<2048x512xf32>
      %jit3A_144 = arith.constant 512 : i32
      %broadcast_in_dim3A_145 = vector.broadcast %jit3A_144 : i32 to vector<2048x512xi32>
      %select_n3A_146 = arith.select %eq3A_143, %iota3A, %broadcast_in_dim3A_145 : vector<2048x512xi1>, vector<2048x512xi32>
      %reduce_min3A_147 = arith.constant dense<2147483647> : vector<2048xi32>
      %reduce_min3A_148 = vector.multi_reduction <minsi>, %select_n3A_146, %reduce_min3A_147 [1] : vector<2048x512xi32> to vector<2048xi32>
      %broadcast_in_dim3A_149 = vector.shape_cast %reduce_min3A_148 : vector<2048xi32> to vector<2048x1xi32>
      %max3A_150 = arith.constant 1.000000e-16 : f32
      %max3A_151 = vector.broadcast %max3A_150 : f32 to vector<2048x1xf32>
      %max3A_152 = arith.maximumf %broadcast_in_dim3A_141, %max3A_151 : vector<2048x1xf32>
      %div3A_153 = arith.constant 1.000000e+00 : f32
      %div3A_154 = vector.broadcast %div3A_153 : f32 to vector<2048x1xf32>
      %div3A_155 = arith.divf %div3A_154, %max3A_152 : vector<2048x1xf32>
      %add3A_156 = arith.addf %broadcast_in_dim3A_138, %div3A_155 : vector<2048x1xf32>
      %eq3A_157 = vector.broadcast %broadcast_in_dim3A_149 : vector<2048x1xi32> to vector<2048x512xi32>
      %eq3A_158 = arith.cmpi eq, %iota3A, %eq3A_157 : vector<2048x512xi32>
      %jit3A_159 = arith.constant 0x7F800000 : f32
      %broadcast_in_dim3A_160 = vector.broadcast %jit3A_159 : f32 to vector<2048x512xf32>
      %select_n3A_161 = arith.select %eq3A_158, %broadcast_in_dim3A_160, %add3A_136 : vector<2048x512xi1>, vector<2048x512xf32>
      %reduce_min3A_162 = arith.constant dense<0x7F800000> : vector<2048xf32>
      %reduce_min3A_163 = vector.multi_reduction <minimumf>, %select_n3A_161, %reduce_min3A_162 [1] : vector<2048x512xf32> to vector<2048xf32>
      %broadcast_in_dim3A_164 = vector.shape_cast %reduce_min3A_163 : vector<2048xf32> to vector<2048x1xf32>
      %eq3A_165 = vector.broadcast %broadcast_in_dim3A_164 : vector<2048x1xf32> to vector<2048x512xf32>
      %eq3A_166 = arith.cmpf oeq, %select_n3A_161, %eq3A_165 : vector<2048x512xf32>
      %jit3A_167 = arith.constant 512 : i32
      %broadcast_in_dim3A_168 = vector.broadcast %jit3A_167 : i32 to vector<2048x512xi32>
      %select_n3A_169 = arith.select %eq3A_166, %iota3A, %broadcast_in_dim3A_168 : vector<2048x512xi1>, vector<2048x512xi32>
      %reduce_min3A_170 = arith.constant dense<2147483647> : vector<2048xi32>
      %reduce_min3A_171 = vector.multi_reduction <minsi>, %select_n3A_169, %reduce_min3A_170 [1] : vector<2048x512xi32> to vector<2048xi32>
      %broadcast_in_dim3A_172 = vector.shape_cast %reduce_min3A_171 : vector<2048xi32> to vector<2048x1xi32>
      %max3A_173 = arith.constant 1.000000e-16 : f32
      %max3A_174 = vector.broadcast %max3A_173 : f32 to vector<2048x1xf32>
      %max3A_175 = arith.maximumf %broadcast_in_dim3A_164, %max3A_174 : vector<2048x1xf32>
      %div3A_176 = arith.constant 1.000000e+00 : f32
      %div3A_177 = vector.broadcast %div3A_176 : f32 to vector<2048x1xf32>
      %div3A_178 = arith.divf %div3A_177, %max3A_175 : vector<2048x1xf32>
      %add3A_179 = arith.addf %add3A_156, %div3A_178 : vector<2048x1xf32>
      %eq3A_180 = vector.broadcast %broadcast_in_dim3A_172 : vector<2048x1xi32> to vector<2048x512xi32>
      %eq3A_181 = arith.cmpi eq, %iota3A, %eq3A_180 : vector<2048x512xi32>
      %jit3A_182 = arith.constant 0x7F800000 : f32
      %broadcast_in_dim3A_183 = vector.broadcast %jit3A_182 : f32 to vector<2048x512xf32>
      %select_n3A_184 = arith.select %eq3A_181, %broadcast_in_dim3A_183, %select_n3A_161 : vector<2048x512xi1>, vector<2048x512xf32>
      %reduce_min3A_185 = arith.constant dense<0x7F800000> : vector<2048xf32>
      %reduce_min3A_186 = vector.multi_reduction <minimumf>, %select_n3A_184, %reduce_min3A_185 [1] : vector<2048x512xf32> to vector<2048xf32>
      %broadcast_in_dim3A_187 = vector.shape_cast %reduce_min3A_186 : vector<2048xf32> to vector<2048x1xf32>
      %eq3A_188 = vector.broadcast %broadcast_in_dim3A_187 : vector<2048x1xf32> to vector<2048x512xf32>
      %eq3A_189 = arith.cmpf oeq, %select_n3A_184, %eq3A_188 : vector<2048x512xf32>
      %jit3A_190 = arith.constant 512 : i32
      %broadcast_in_dim3A_191 = vector.broadcast %jit3A_190 : i32 to vector<2048x512xi32>
      %select_n3A_192 = arith.select %eq3A_189, %iota3A, %broadcast_in_dim3A_191 : vector<2048x512xi1>, vector<2048x512xi32>
      %reduce_min3A_193 = arith.constant dense<2147483647> : vector<2048xi32>
      %reduce_min3A_194 = vector.multi_reduction <minsi>, %select_n3A_192, %reduce_min3A_193 [1] : vector<2048x512xi32> to vector<2048xi32>
      %broadcast_in_dim3A_195 = vector.shape_cast %reduce_min3A_194 : vector<2048xi32> to vector<2048x1xi32>
      %max3A_196 = arith.constant 1.000000e-16 : f32
      %max3A_197 = vector.broadcast %max3A_196 : f32 to vector<2048x1xf32>
      %max3A_198 = arith.maximumf %broadcast_in_dim3A_187, %max3A_197 : vector<2048x1xf32>
      %div3A_199 = arith.constant 1.000000e+00 : f32
      %div3A_200 = vector.broadcast %div3A_199 : f32 to vector<2048x1xf32>
      %div3A_201 = arith.divf %div3A_200, %max3A_198 : vector<2048x1xf32>
      %add3A_202 = arith.addf %add3A_179, %div3A_201 : vector<2048x1xf32>
      %eq3A_203 = vector.broadcast %broadcast_in_dim3A_195 : vector<2048x1xi32> to vector<2048x512xi32>
      %eq3A_204 = arith.cmpi eq, %iota3A, %eq3A_203 : vector<2048x512xi32>
      %jit3A_205 = arith.constant 0x7F800000 : f32
      %broadcast_in_dim3A_206 = vector.broadcast %jit3A_205 : f32 to vector<2048x512xf32>
      %select_n3A_207 = arith.select %eq3A_204, %broadcast_in_dim3A_206, %select_n3A_184 : vector<2048x512xi1>, vector<2048x512xf32>
      %eq3A_208 = arith.constant 0x7F800000 : f32
      %eq3A_209 = vector.broadcast %eq3A_208 : f32 to vector<2048x512xf32>
      %eq3A_210 = arith.cmpf oeq, %select_n3A_207, %eq3A_209 : vector<2048x512xf32>
      %max3A_211 = arith.constant 1.000000e-16 : f32
      %max3A_212 = vector.broadcast %max3A_211 : f32 to vector<2048x512xf32>
      %max3A_213 = arith.maximumf %add3A_136, %max3A_212 : vector<2048x512xf32>
      %div3A_214 = arith.constant 1.000000e+00 : f32
      %div3A_215 = vector.broadcast %div3A_214 : f32 to vector<2048x512xf32>
      %div3A_216 = arith.divf %div3A_215, %max3A_213 : vector<2048x512xf32>
      %jit3A_217 = arith.constant 0.000000e+00 : f32
      %broadcast_in_dim3A_218 = vector.broadcast %jit3A_217 : f32 to vector<2048x512xf32>
      %select_n3A_219 = arith.select %eq3A_210, %div3A_216, %broadcast_in_dim3A_218 : vector<2048x512xi1>, vector<2048x512xf32>
      %dot_general3A_220 = arith.constant dense<0.000000e+00> : vector<2048x256xf32>
      %dot_general3A_221 = tpu.matmul %select_n3A_219, %add3A_87, %dot_general3A_220 {dimension_numbers = #tpu.dot_dimension_numbers<[1], [0], [0], [1], [0, 0, 1, 1], [], []>, transpose_lhs_hint = false} : vector<2048x512xf32>, vector<512x256xf32>, vector<2048x256xf32> -> vector<2048x256xf32>
      %div3A_222 = vector.broadcast %add3A_202 : vector<2048x1xf32> to vector<2048x256xf32>
      %div3A_223 = arith.divf %dot_general3A_221, %div3A_222 : vector<2048x256xf32>
      %get3A_224 = arith.constant 0 : index
      %get3A_225 = arith.constant 0 : index
      %get3A_226 = vector.load %arg13[%get3A_224, %get3A_225] : memref<256x256xf32, #tpu.memory_space<vmem>>, vector<256x256xf32>
      %dot_general3A_227 = arith.constant dense<0.000000e+00> : vector<2048x256xf32>
      %dot_general3A_228 = tpu.matmul %div3A_223, %get3A_226, %dot_general3A_227 {dimension_numbers = #tpu.dot_dimension_numbers<[1], [0], [0], [1], [0, 0, 1, 1], [], []>, transpose_lhs_hint = false} : vector<2048x256xf32>, vector<256x256xf32>, vector<2048x256xf32> -> vector<2048x256xf32>
      %get3A_229 = arith.constant 0 : index
      %get3A_230 = arith.constant 0 : index
      %get3A_231 = vector.load %arg12[%get3A_229, %get3A_230] : memref<2048x128xf32, #tpu.memory_space<vmem>>, vector<2048x128xf32>
      %get3A_232 = arith.constant 0 : index
      %get3A_233 = arith.constant 0 : index
      %get3A_234 = vector.load %arg14[%get3A_232, %get3A_233] : memref<128x256xf32, #tpu.memory_space<vmem>>, vector<128x256xf32>
      %dot_general3A_235 = arith.constant dense<0.000000e+00> : vector<2048x256xf32>
      %dot_general3A_236 = tpu.matmul %get3A_231, %get3A_234, %dot_general3A_235 {dimension_numbers = #tpu.dot_dimension_numbers<[1], [0], [0], [1], [0, 0, 1, 1], [], []>, transpose_lhs_hint = false} : vector<2048x128xf32>, vector<128x256xf32>, vector<2048x256xf32> -> vector<2048x256xf32>
      %add3A_237 = arith.addf %dot_general3A_228, %dot_general3A_236 : vector<2048x256xf32>
      %get3A_238 = arith.constant 0 : index
      %get3A_239 = arith.constant 0 : index
      %get3A_240 = vector.load %arg15[%get3A_238, %get3A_239] : memref<1x256xf32, #tpu.memory_space<vmem>>, vector<1x256xf32>
      %add3A_241 = vector.broadcast %get3A_240 : vector<1x256xf32> to vector<2048x256xf32>
      %add3A_242 = arith.addf %add3A_237, %add3A_241 : vector<2048x256xf32>
      %max3A_243 = arith.constant 0.000000e+00 : f32
      %max3A_244 = vector.broadcast %max3A_243 : f32 to vector<2048x256xf32>
      %max3A_245 = arith.maximumf %add3A_242, %max3A_244 : vector<2048x256xf32>
      %get3A_246 = arith.constant 0 : index
      %get3A_247 = arith.constant 0 : index
      %get3A_248 = vector.load %arg16[%get3A_246, %get3A_247] : memref<256x128xf32, #tpu.memory_space<vmem>>, vector<256x128xf32>
      %dot_general3A_249 = arith.constant dense<0.000000e+00> : vector<2048x128xf32>
      %dot_general3A_250 = tpu.matmul %max3A_245, %get3A_248, %dot_general3A_249 {dimension_numbers = #tpu.dot_dimension_numbers<[1], [0], [0], [1], [0, 0, 1, 1], [], []>, transpose_lhs_hint = false} : vector<2048x256xf32>, vector<256x128xf32>, vector<2048x128xf32> -> vector<2048x128xf32>
      %get3A_251 = arith.constant 0 : index
      %get3A_252 = arith.constant 0 : index
      %get3A_253 = vector.load %arg17[%get3A_251, %get3A_252] : memref<1x128xf32, #tpu.memory_space<vmem>>, vector<1x128xf32>
      %add3A_254 = vector.broadcast %get3A_253 : vector<1x128xf32> to vector<2048x128xf32>
      %add3A_255 = arith.addf %dot_general3A_250, %add3A_254 : vector<2048x128xf32>
      %swap3A = arith.constant 0 : index
      %swap3A_256 = arith.constant 0 : index
      %swap3A_257 = vector.load %arg23[%swap3A, %swap3A_256] : memref<2048x128xf32, #tpu.memory_space<vmem>>, vector<2048x128xf32>
      tpu.vector_store %arg23[%swap3A, %swap3A_256], %add3A_255 {strides = array<i32>} : memref<2048x128xf32, #tpu.memory_space<vmem>>, vector<2048x128xf32>,
    } else {
    }
    %get3A = arith.constant 0 : index
    %get3A_2 = arith.constant 0 : index
    %get3A_3 = vector.load %arg19[%get3A, %get3A_2] : memref<512x1xi32, #tpu.memory_space<vmem>>, vector<512x1xi32>
    %get3A_4 = arith.constant 0 : index
    %get3A_5 = arith.constant 0 : index
    %get3A_6 = vector.load %arg21[%get3A_4, %get3A_5] : memref<1x2048xi32, #tpu.memory_space<vmem>>, vector<1x2048xi32>
    %reduce_min3A = vector.shape_cast %get3A_3 : vector<512x1xi32> to vector<1x512x1xi32>
    %reduce_min3A_7 = arith.constant dense<2147483647> : vector<1xi32>
    %reduce_min3A_8 = vector.multi_reduction <minsi>, %reduce_min3A, %reduce_min3A_7 [1, 2] : vector<1x512x1xi32> to vector<1xi32>
    %reduce_min3A_9 = vector.shape_cast %reduce_min3A_8 : vector<1xi32> to vector<1x1x1xi32>
    %reduce_min3A_10 = vector.extract %reduce_min3A_9[0, 0, 0] : i32 from vector<1x1x1xi32>
    %reduce_max3A = vector.shape_cast %get3A_3 : vector<512x1xi32> to vector<1x512x1xi32>
    %reduce_max3A_11 = arith.constant dense<-2147483648> : vector<1xi32>
    %reduce_max3A_12 = vector.multi_reduction <maxsi>, %reduce_max3A, %reduce_max3A_11 [1, 2] : vector<1x512x1xi32> to vector<1xi32>
    %reduce_max3A_13 = vector.shape_cast %reduce_max3A_12 : vector<1xi32> to vector<1x1x1xi32>
    %reduce_max3A_14 = vector.extract %reduce_max3A_13[0, 0, 0] : i32 from vector<1x1x1xi32>
    %lt3A = vector.broadcast %reduce_min3A_10 : i32 to vector<1x2048xi32>
    %lt3A_15 = arith.cmpi slt, %get3A_6, %lt3A : vector<1x2048xi32>
    %convert_element_type3A_16 = arith.extui %lt3A_15 : vector<1x2048xi1> to vector<1x2048xi32>
    %reduce_sum3A = vector.shape_cast %convert_element_type3A_16 : vector<1x2048xi32> to vector<1x1x2048xi32>
    %reduce_sum3A_17 = arith.constant dense<0> : vector<1xi32>
    %reduce_sum3A_18 = vector.multi_reduction <add>, %reduce_sum3A, %reduce_sum3A_17 [1, 2] : vector<1x1x2048xi32> to vector<1xi32>
    %reduce_sum3A_19 = vector.shape_cast %reduce_sum3A_18 : vector<1xi32> to vector<1x1x1xi32>
    %reduce_sum3A_20 = vector.extract %reduce_sum3A_19[0, 0, 0] : i32 from vector<1x1x1xi32>
    %le3A = vector.broadcast %reduce_max3A_14 : i32 to vector<1x2048xi32>
    %le3A_21 = arith.cmpi sle, %get3A_6, %le3A : vector<1x2048xi32>
    %convert_element_type3A_22 = arith.extui %le3A_21 : vector<1x2048xi1> to vector<1x2048xi32>
    %reduce_sum3A_23 = vector.shape_cast %convert_element_type3A_22 : vector<1x2048xi32> to vector<1x1x2048xi32>
    %reduce_sum3A_24 = arith.constant dense<0> : vector<1xi32>
    %reduce_sum3A_25 = vector.multi_reduction <add>, %reduce_sum3A_23, %reduce_sum3A_24 [1, 2] : vector<1x1x2048xi32> to vector<1xi32>
    %reduce_sum3A_26 = vector.shape_cast %reduce_sum3A_25 : vector<1xi32> to vector<1x1x1xi32>
    %reduce_sum3A_27 = vector.extract %reduce_sum3A_26[0, 0, 0] : i32 from vector<1x1x1xi32>
    %jit3A = arith.constant 128 : i32
    %div3A = arith.divsi %reduce_sum3A_20, %jit3A : i32
    %sign3A = arith.constant 0 : i32
    %sign3A_28 = arith.cmpi sgt, %reduce_sum3A_20, %sign3A : i32
    %sign3A_29 = arith.extui %sign3A_28 : i1 to i32
    %sign3A_30 = arith.constant 0 : i32
    %sign3A_31 = arith.cmpi slt, %reduce_sum3A_20, %sign3A_30 : i32
    %sign3A_32 = arith.extui %sign3A_31 : i1 to i32
    %sign3A_33 = arith.subi %sign3A_29, %sign3A_32 : i32
    %sign3A_34 = arith.constant 0 : i32
    %sign3A_35 = arith.cmpi sgt, %jit3A, %sign3A_34 : i32
    %sign3A_36 = arith.extui %sign3A_35 : i1 to i32
    %sign3A_37 = arith.constant 0 : i32
    %sign3A_38 = arith.cmpi slt, %jit3A, %sign3A_37 : i32
    %sign3A_39 = arith.extui %sign3A_38 : i1 to i32
    %sign3A_40 = arith.subi %sign3A_36, %sign3A_39 : i32
    %ne3A = arith.cmpi ne, %sign3A_33, %sign3A_40 : i32
    %rem3A = arith.remsi %reduce_sum3A_20, %jit3A : i32
    %ne3A_41 = arith.constant 0 : i32
    %ne3A_42 = arith.cmpi ne, %rem3A, %ne3A_41 : i32
    %and3A = arith.andi %ne3A, %ne3A_42 : i1
    %sub3A = arith.constant 1 : i32
    %sub3A_43 = arith.subi %div3A, %sub3A : i32
    %select_n3A = arith.select %and3A, %sub3A_43, %div3A : i32
    %mul3A = arith.constant 128 : i32
    %mul3A_44 = arith.muli %select_n3A, %mul3A : i32
    %min3A = arith.constant 1536 : i32
    %min3A_45 = arith.minsi %mul3A_44, %min3A : i32
    %sub3A_46 = arith.subi %reduce_sum3A_27, %min3A_45 : i32
    %le3A_47 = arith.constant 512 : i32
    %le3A_48 = arith.cmpi sle, %sub3A_46, %le3A_47 : i32
    %convert_element_type3A_49 = arith.extui %le3A_48 : i1 to i32
    %cond3A_50 = arith.constant 0 : i32
    %cond3A_51 = arith.cmpi ne, %convert_element_type3A_49, %cond3A_50 : i32
    scf.if %cond3A_51 {
      %get3A_56 = arith.constant 0 : index
      %get3A_57 = arith.constant 0 : index
      %get3A_58 = vector.load %arg18[%get3A_56, %get3A_57] : memref<512x3xf32, #tpu.memory_space<vmem>>, vector<512x3xf32>
      %get3A_59 = arith.constant 0 : index
      %get3A_60 = arith.index_cast %min3A_45 : i32 to index
      %get3A_61 = vector.load %arg20[%get3A_59, %get3A_60] : memref<3x2048xf32, #tpu.memory_space<vmem>>, vector<3x512xf32>
      %get3A_62 = arith.constant 0 : index
      %get3A_63 = arith.index_cast %min3A_45 : i32 to index
      %get3A_64 = vector.load %arg21[%get3A_62, %get3A_63] : memref<1x2048xi32, #tpu.memory_space<vmem>>, vector<1x512xi32>
      %get3A_65 = arith.index_cast %min3A_45 : i32 to index
      %get3A_66 = arith.constant 0 : index
      %get3A_67 = vector.load %arg23[%get3A_65, %get3A_66] : memref<2048x128xf32, #tpu.memory_space<vmem>>, vector<512x128xf32>
      %broadcast_in_dim3A = arith.constant 0.000000e+00 : f32
      %broadcast_in_dim3A_68 = vector.broadcast %broadcast_in_dim3A : f32 to vector<512x512xf32>
      %slice3A = vector.extract_strided_slice %get3A_58 {offsets = [0, 0], sizes = [512, 1], strides = [1, 1]} : vector<512x3xf32> to vector<512x1xf32>
      %slice3A_69 = vector.extract_strided_slice %get3A_61 {offsets = [0, 0], sizes = [1, 512], strides = [1, 1]} : vector<3x512xf32> to vector<1x512xf32>
      %sub3A_70 = vector.broadcast %slice3A : vector<512x1xf32> to vector<512x512xf32>
      %sub3A_71 = vector.broadcast %slice3A_69 : vector<1x512xf32> to vector<512x512xf32>
      %sub3A_72 = arith.subf %sub3A_70, %sub3A_71 : vector<512x512xf32>
      %mul3A_73 = arith.mulf %sub3A_72, %sub3A_72 : vector<512x512xf32>
      %add3A = arith.addf %broadcast_in_dim3A_68, %mul3A_73 : vector<512x512xf32>
      %slice3A_74 = vector.extract_strided_slice %get3A_58 {offsets = [0, 1], sizes = [512, 1], strides = [1, 1]} : vector<512x3xf32> to vector<512x1xf32>
      %slice3A_75 = vector.extract_strided_slice %get3A_61 {offsets = [1, 0], sizes = [1, 512], strides = [1, 1]} : vector<3x512xf32> to vector<1x512xf32>
      %sub3A_76 = vector.broadcast %slice3A_74 : vector<512x1xf32> to vector<512x512xf32>
      %sub3A_77 = vector.broadcast %slice3A_75 : vector<1x512xf32> to vector<512x512xf32>
      %sub3A_78 = arith.subf %sub3A_76, %sub3A_77 : vector<512x512xf32>
      %mul3A_79 = arith.mulf %sub3A_78, %sub3A_78 : vector<512x512xf32>
      %add3A_80 = arith.addf %add3A, %mul3A_79 : vector<512x512xf32>
      %slice3A_81 = vector.extract_strided_slice %get3A_58 {offsets = [0, 2], sizes = [512, 1], strides = [1, 1]} : vector<512x3xf32> to vector<512x1xf32>
      %slice3A_82 = vector.extract_strided_slice %get3A_61 {offsets = [2, 0], sizes = [1, 512], strides = [1, 1]} : vector<3x512xf32> to vector<1x512xf32>
      %sub3A_83 = vector.broadcast %slice3A_81 : vector<512x1xf32> to vector<512x512xf32>
      %sub3A_84 = vector.broadcast %slice3A_82 : vector<1x512xf32> to vector<512x512xf32>
      %sub3A_85 = arith.subf %sub3A_83, %sub3A_84 : vector<512x512xf32>
      %mul3A_86 = arith.mulf %sub3A_85, %sub3A_85 : vector<512x512xf32>
      %add3A_87 = arith.addf %add3A_80, %mul3A_86 : vector<512x512xf32>
      %ne3A_88 = vector.broadcast %get3A_3 : vector<512x1xi32> to vector<512x512xi32>
      %ne3A_89 = vector.broadcast %get3A_64 : vector<1x512xi32> to vector<512x512xi32>
      %ne3A_90 = arith.cmpi ne, %ne3A_88, %ne3A_89 : vector<512x512xi32>
      %convert_element_type3A_91 = arith.extui %ne3A_90 : vector<512x512xi1> to vector<512x512xi32>
      %convert_element_type3A_92 = arith.sitofp %convert_element_type3A_91 : vector<512x512xi32> to vector<512x512xf32>
      %mul3A_93 = arith.constant 1.000000e+10 : f32
      %mul3A_94 = vector.broadcast %mul3A_93 : f32 to vector<512x512xf32>
      %mul3A_95 = arith.mulf %convert_element_type3A_92, %mul3A_94 : vector<512x512xf32>
      %add3A_96 = arith.addf %add3A_87, %mul3A_95 : vector<512x512xf32>
      %iota3A = tpu.iota {dimensions = array<i32: 1>} : vector<512x512xi32>
      %broadcast_in_dim3A_97 = arith.constant 0.000000e+00 : f32
      %broadcast_in_dim3A_98 = vector.broadcast %broadcast_in_dim3A_97 : f32 to vector<512x1xf32>
      %reduce_min3A_99 = arith.constant dense<0x7F800000> : vector<512xf32>
      %reduce_min3A_100 = vector.multi_reduction <minimumf>, %add3A_96, %reduce_min3A_99 [1] : vector<512x512xf32> to vector<512xf32>
      %broadcast_in_dim3A_101 = vector.shape_cast %reduce_min3A_100 : vector<512xf32> to vector<512x1xf32>
      %eq3A_102 = vector.broadcast %broadcast_in_dim3A_101 : vector<512x1xf32> to vector<512x512xf32>
      %eq3A_103 = arith.cmpf oeq, %add3A_96, %eq3A_102 : vector<512x512xf32>
      %jit3A_104 = arith.constant 512 : i32
      %broadcast_in_dim3A_105 = vector.broadcast %jit3A_104 : i32 to vector<512x512xi32>
      %select_n3A_106 = arith.select %eq3A_103, %iota3A, %broadcast_in_dim3A_105 : vector<512x512xi1>, vector<512x512xi32>
      %reduce_min3A_107 = arith.constant dense<2147483647> : vector<512xi32>
      %reduce_min3A_108 = vector.multi_reduction <minsi>, %select_n3A_106, %reduce_min3A_107 [1] : vector<512x512xi32> to vector<512xi32>
      %broadcast_in_dim3A_109 = vector.shape_cast %reduce_min3A_108 : vector<512xi32> to vector<512x1xi32>
      %max3A = arith.constant 1.000000e-16 : f32
      %max3A_110 = vector.broadcast %max3A : f32 to vector<512x1xf32>
      %max3A_111 = arith.maximumf %broadcast_in_dim3A_101, %max3A_110 : vector<512x1xf32>
      %div3A_112 = arith.constant 1.000000e+00 : f32
      %div3A_113 = vector.broadcast %div3A_112 : f32 to vector<512x1xf32>
      %div3A_114 = arith.divf %div3A_113, %max3A_111 : vector<512x1xf32>
      %add3A_115 = arith.addf %broadcast_in_dim3A_98, %div3A_114 : vector<512x1xf32>
      %eq3A_116 = vector.broadcast %broadcast_in_dim3A_109 : vector<512x1xi32> to vector<512x512xi32>
      %eq3A_117 = arith.cmpi eq, %iota3A, %eq3A_116 : vector<512x512xi32>
      %jit3A_118 = arith.constant 0x7F800000 : f32
      %broadcast_in_dim3A_119 = vector.broadcast %jit3A_118 : f32 to vector<512x512xf32>
      %select_n3A_120 = arith.select %eq3A_117, %broadcast_in_dim3A_119, %add3A_96 : vector<512x512xi1>, vector<512x512xf32>
      %reduce_min3A_121 = arith.constant dense<0x7F800000> : vector<512xf32>
      %reduce_min3A_122 = vector.multi_reduction <minimumf>, %select_n3A_120, %reduce_min3A_121 [1] : vector<512x512xf32> to vector<512xf32>
      %broadcast_in_dim3A_123 = vector.shape_cast %reduce_min3A_122 : vector<512xf32> to vector<512x1xf32>
      %eq3A_124 = vector.broadcast %broadcast_in_dim3A_123 : vector<512x1xf32> to vector<512x512xf32>
      %eq3A_125 = arith.cmpf oeq, %select_n3A_120, %eq3A_124 : vector<512x512xf32>
      %jit3A_126 = arith.constant 512 : i32
      %broadcast_in_dim3A_127 = vector.broadcast %jit3A_126 : i32 to vector<512x512xi32>
      %select_n3A_128 = arith.select %eq3A_125, %iota3A, %broadcast_in_dim3A_127 : vector<512x512xi1>, vector<512x512xi32>
      %reduce_min3A_129 = arith.constant dense<2147483647> : vector<512xi32>
      %reduce_min3A_130 = vector.multi_reduction <minsi>, %select_n3A_128, %reduce_min3A_129 [1] : vector<512x512xi32> to vector<512xi32>
      %broadcast_in_dim3A_131 = vector.shape_cast %reduce_min3A_130 : vector<512xi32> to vector<512x1xi32>
      %max3A_132 = arith.constant 1.000000e-16 : f32
      %max3A_133 = vector.broadcast %max3A_132 : f32 to vector<512x1xf32>
      %max3A_134 = arith.maximumf %broadcast_in_dim3A_123, %max3A_133 : vector<512x1xf32>
      %div3A_135 = arith.constant 1.000000e+00 : f32
      %div3A_136 = vector.broadcast %div3A_135 : f32 to vector<512x1xf32>
      %div3A_137 = arith.divf %div3A_136, %max3A_134 : vector<512x1xf32>
      %add3A_138 = arith.addf %add3A_115, %div3A_137 : vector<512x1xf32>
      %eq3A_139 = vector.broadcast %broadcast_in_dim3A_131 : vector<512x1xi32> to vector<512x512xi32>
      %eq3A_140 = arith.cmpi eq, %iota3A, %eq3A_139 : vector<512x512xi32>
      %jit3A_141 = arith.constant 0x7F800000 : f32
      %broadcast_in_dim3A_142 = vector.broadcast %jit3A_141 : f32 to vector<512x512xf32>
      %select_n3A_143 = arith.select %eq3A_140, %broadcast_in_dim3A_142, %select_n3A_120 : vector<512x512xi1>, vector<512x512xf32>
      %reduce_min3A_144 = arith.constant dense<0x7F800000> : vector<512xf32>
      %reduce_min3A_145 = vector.multi_reduction <minimumf>, %select_n3A_143, %reduce_min3A_144 [1] : vector<512x512xf32> to vector<512xf32>
      %broadcast_in_dim3A_146 = vector.shape_cast %reduce_min3A_145 : vector<512xf32> to vector<512x1xf32>
      %eq3A_147 = vector.broadcast %broadcast_in_dim3A_146 : vector<512x1xf32> to vector<512x512xf32>
      %eq3A_148 = arith.cmpf oeq, %select_n3A_143, %eq3A_147 : vector<512x512xf32>
      %jit3A_149 = arith.constant 512 : i32
      %broadcast_in_dim3A_150 = vector.broadcast %jit3A_149 : i32 to vector<512x512xi32>
      %select_n3A_151 = arith.select %eq3A_148, %iota3A, %broadcast_in_dim3A_150 : vector<512x512xi1>, vector<512x512xi32>
      %reduce_min3A_152 = arith.constant dense<2147483647> : vector<512xi32>
      %reduce_min3A_153 = vector.multi_reduction <minsi>, %select_n3A_151, %reduce_min3A_152 [1] : vector<512x512xi32> to vector<512xi32>
      %broadcast_in_dim3A_154 = vector.shape_cast %reduce_min3A_153 : vector<512xi32> to vector<512x1xi32>
      %max3A_155 = arith.constant 1.000000e-16 : f32
      %max3A_156 = vector.broadcast %max3A_155 : f32 to vector<512x1xf32>
      %max3A_157 = arith.maximumf %broadcast_in_dim3A_146, %max3A_156 : vector<512x1xf32>
      %div3A_158 = arith.constant 1.000000e+00 : f32
      %div3A_159 = vector.broadcast %div3A_158 : f32 to vector<512x1xf32>
      %div3A_160 = arith.divf %div3A_159, %max3A_157 : vector<512x1xf32>
      %add3A_161 = arith.addf %add3A_138, %div3A_160 : vector<512x1xf32>
      %eq3A_162 = vector.broadcast %broadcast_in_dim3A_154 : vector<512x1xi32> to vector<512x512xi32>
      %eq3A_163 = arith.cmpi eq, %iota3A, %eq3A_162 : vector<512x512xi32>
      %jit3A_164 = arith.constant 0x7F800000 : f32
      %broadcast_in_dim3A_165 = vector.broadcast %jit3A_164 : f32 to vector<512x512xf32>
      %select_n3A_166 = arith.select %eq3A_163, %broadcast_in_dim3A_165, %select_n3A_143 : vector<512x512xi1>, vector<512x512xf32>
      %eq3A_167 = arith.constant 0x7F800000 : f32
      %eq3A_168 = vector.broadcast %eq3A_167 : f32 to vector<512x512xf32>
      %eq3A_169 = arith.cmpf oeq, %select_n3A_166, %eq3A_168 : vector<512x512xf32>
      %max3A_170 = arith.constant 1.000000e-16 : f32
      %max3A_171 = vector.broadcast %max3A_170 : f32 to vector<512x512xf32>
      %max3A_172 = arith.maximumf %add3A_96, %max3A_171 : vector<512x512xf32>
      %div3A_173 = arith.constant 1.000000e+00 : f32
      %div3A_174 = vector.broadcast %div3A_173 : f32 to vector<512x512xf32>
      %div3A_175 = arith.divf %div3A_174, %max3A_172 : vector<512x512xf32>
      %jit3A_176 = arith.constant 0.000000e+00 : f32
      %broadcast_in_dim3A_177 = vector.broadcast %jit3A_176 : f32 to vector<512x512xf32>
      %select_n3A_178 = arith.select %eq3A_169, %div3A_175, %broadcast_in_dim3A_177 : vector<512x512xi1>, vector<512x512xf32>
      %dot_general3A = arith.constant dense<0.000000e+00> : vector<512x128xf32>
      %dot_general3A_179 = tpu.matmul %select_n3A_178, %get3A_67, %dot_general3A {dimension_numbers = #tpu.dot_dimension_numbers<[1], [0], [0], [1], [0, 0, 1, 1], [], []>, transpose_lhs_hint = false} : vector<512x512xf32>, vector<512x128xf32>, vector<512x128xf32> -> vector<512x128xf32>
      %div3A_180 = vector.broadcast %add3A_161 : vector<512x1xf32> to vector<512x128xf32>
      %div3A_181 = arith.divf %dot_general3A_179, %div3A_180 : vector<512x128xf32>
      %swap3A = arith.constant 0 : index
      %swap3A_182 = arith.constant 0 : index
      %swap3A_183 = vector.load %arg22[%swap3A, %swap3A_182] : memref<512x128xf32, #tpu.memory_space<vmem>>, vector<512x128xf32>
      tpu.vector_store %arg22[%swap3A, %swap3A_182], %div3A_181 {strides = array<i32>} : memref<512x128xf32, #tpu.memory_space<vmem>>, vector<512x128xf32>,
    } else {
    }
    %not3A = arith.constant true
    %not3A_52 = arith.xori %le3A_48, %not3A : i1
    %convert_element_type3A_53 = arith.extui %not3A_52 : i1 to i32
    %cond3A_54 = arith.constant 0 : i32
    %cond3A_55 = arith.cmpi ne, %convert_element_type3A_53, %cond3A_54 : i32
    scf.if %cond3A_55 {
      %get3A_56 = arith.constant 0 : index
      %get3A_57 = arith.constant 0 : index
      %get3A_58 = vector.load %arg18[%get3A_56, %get3A_57] : memref<512x3xf32, #tpu.memory_space<vmem>>, vector<512x3xf32>
      %get3A_59 = arith.constant 0 : index
      %get3A_60 = arith.constant 0 : index
      %get3A_61 = vector.load %arg20[%get3A_59, %get3A_60] : memref<3x2048xf32, #tpu.memory_space<vmem>>, vector<3x2048xf32>
      %get3A_62 = arith.constant 0 : index
      %get3A_63 = arith.constant 0 : index
      %get3A_64 = vector.load %arg21[%get3A_62, %get3A_63] : memref<1x2048xi32, #tpu.memory_space<vmem>>, vector<1x2048xi32>
      %get3A_65 = arith.constant 0 : index
      %get3A_66 = arith.constant 0 : index
      %get3A_67 = vector.load %arg23[%get3A_65, %get3A_66] : memref<2048x128xf32, #tpu.memory_space<vmem>>, vector<2048x128xf32>
      %broadcast_in_dim3A = arith.constant 0.000000e+00 : f32
      %broadcast_in_dim3A_68 = vector.broadcast %broadcast_in_dim3A : f32 to vector<512x2048xf32>
      %slice3A = vector.extract_strided_slice %get3A_58 {offsets = [0, 0], sizes = [512, 1], strides = [1, 1]} : vector<512x3xf32> to vector<512x1xf32>
      %slice3A_69 = vector.extract_strided_slice %get3A_61 {offsets = [0, 0], sizes = [1, 2048], strides = [1, 1]} : vector<3x2048xf32> to vector<1x2048xf32>
      %sub3A_70 = vector.broadcast %slice3A : vector<512x1xf32> to vector<512x2048xf32>
      %sub3A_71 = vector.broadcast %slice3A_69 : vector<1x2048xf32> to vector<512x2048xf32>
      %sub3A_72 = arith.subf %sub3A_70, %sub3A_71 : vector<512x2048xf32>
      %mul3A_73 = arith.mulf %sub3A_72, %sub3A_72 : vector<512x2048xf32>
      %add3A = arith.addf %broadcast_in_dim3A_68, %mul3A_73 : vector<512x2048xf32>
      %slice3A_74 = vector.extract_strided_slice %get3A_58 {offsets = [0, 1], sizes = [512, 1], strides = [1, 1]} : vector<512x3xf32> to vector<512x1xf32>
      %slice3A_75 = vector.extract_strided_slice %get3A_61 {offsets = [1, 0], sizes = [1, 2048], strides = [1, 1]} : vector<3x2048xf32> to vector<1x2048xf32>
      %sub3A_76 = vector.broadcast %slice3A_74 : vector<512x1xf32> to vector<512x2048xf32>
      %sub3A_77 = vector.broadcast %slice3A_75 : vector<1x2048xf32> to vector<512x2048xf32>
      %sub3A_78 = arith.subf %sub3A_76, %sub3A_77 : vector<512x2048xf32>
      %mul3A_79 = arith.mulf %sub3A_78, %sub3A_78 : vector<512x2048xf32>
      %add3A_80 = arith.addf %add3A, %mul3A_79 : vector<512x2048xf32>
      %slice3A_81 = vector.extract_strided_slice %get3A_58 {offsets = [0, 2], sizes = [512, 1], strides = [1, 1]} : vector<512x3xf32> to vector<512x1xf32>
      %slice3A_82 = vector.extract_strided_slice %get3A_61 {offsets = [2, 0], sizes = [1, 2048], strides = [1, 1]} : vector<3x2048xf32> to vector<1x2048xf32>
      %sub3A_83 = vector.broadcast %slice3A_81 : vector<512x1xf32> to vector<512x2048xf32>
      %sub3A_84 = vector.broadcast %slice3A_82 : vector<1x2048xf32> to vector<512x2048xf32>
      %sub3A_85 = arith.subf %sub3A_83, %sub3A_84 : vector<512x2048xf32>
      %mul3A_86 = arith.mulf %sub3A_85, %sub3A_85 : vector<512x2048xf32>
      %add3A_87 = arith.addf %add3A_80, %mul3A_86 : vector<512x2048xf32>
      %ne3A_88 = vector.broadcast %get3A_3 : vector<512x1xi32> to vector<512x2048xi32>
      %ne3A_89 = vector.broadcast %get3A_64 : vector<1x2048xi32> to vector<512x2048xi32>
      %ne3A_90 = arith.cmpi ne, %ne3A_88, %ne3A_89 : vector<512x2048xi32>
      %convert_element_type3A_91 = arith.extui %ne3A_90 : vector<512x2048xi1> to vector<512x2048xi32>
      %convert_element_type3A_92 = arith.sitofp %convert_element_type3A_91 : vector<512x2048xi32> to vector<512x2048xf32>
      %mul3A_93 = arith.constant 1.000000e+10 : f32
      %mul3A_94 = vector.broadcast %mul3A_93 : f32 to vector<512x2048xf32>
      %mul3A_95 = arith.mulf %convert_element_type3A_92, %mul3A_94 : vector<512x2048xf32>
      %add3A_96 = arith.addf %add3A_87, %mul3A_95 : vector<512x2048xf32>
      %iota3A = tpu.iota {dimensions = array<i32: 1>} : vector<512x2048xi32>
      %broadcast_in_dim3A_97 = arith.constant 0.000000e+00 : f32
      %broadcast_in_dim3A_98 = vector.broadcast %broadcast_in_dim3A_97 : f32 to vector<512x1xf32>
      %reduce_min3A_99 = arith.constant dense<0x7F800000> : vector<512xf32>
      %reduce_min3A_100 = vector.multi_reduction <minimumf>, %add3A_96, %reduce_min3A_99 [1] : vector<512x2048xf32> to vector<512xf32>
      %broadcast_in_dim3A_101 = vector.shape_cast %reduce_min3A_100 : vector<512xf32> to vector<512x1xf32>
      %eq3A_102 = vector.broadcast %broadcast_in_dim3A_101 : vector<512x1xf32> to vector<512x2048xf32>
      %eq3A_103 = arith.cmpf oeq, %add3A_96, %eq3A_102 : vector<512x2048xf32>
      %jit3A_104 = arith.constant 2048 : i32
      %broadcast_in_dim3A_105 = vector.broadcast %jit3A_104 : i32 to vector<512x2048xi32>
      %select_n3A_106 = arith.select %eq3A_103, %iota3A, %broadcast_in_dim3A_105 : vector<512x2048xi1>, vector<512x2048xi32>
      %reduce_min3A_107 = arith.constant dense<2147483647> : vector<512xi32>
      %reduce_min3A_108 = vector.multi_reduction <minsi>, %select_n3A_106, %reduce_min3A_107 [1] : vector<512x2048xi32> to vector<512xi32>
      %broadcast_in_dim3A_109 = vector.shape_cast %reduce_min3A_108 : vector<512xi32> to vector<512x1xi32>
      %max3A = arith.constant 1.000000e-16 : f32
      %max3A_110 = vector.broadcast %max3A : f32 to vector<512x1xf32>
      %max3A_111 = arith.maximumf %broadcast_in_dim3A_101, %max3A_110 : vector<512x1xf32>
      %div3A_112 = arith.constant 1.000000e+00 : f32
      %div3A_113 = vector.broadcast %div3A_112 : f32 to vector<512x1xf32>
      %div3A_114 = arith.divf %div3A_113, %max3A_111 : vector<512x1xf32>
      %add3A_115 = arith.addf %broadcast_in_dim3A_98, %div3A_114 : vector<512x1xf32>
      %eq3A_116 = vector.broadcast %broadcast_in_dim3A_109 : vector<512x1xi32> to vector<512x2048xi32>
      %eq3A_117 = arith.cmpi eq, %iota3A, %eq3A_116 : vector<512x2048xi32>
      %jit3A_118 = arith.constant 0x7F800000 : f32
      %broadcast_in_dim3A_119 = vector.broadcast %jit3A_118 : f32 to vector<512x2048xf32>
      %select_n3A_120 = arith.select %eq3A_117, %broadcast_in_dim3A_119, %add3A_96 : vector<512x2048xi1>, vector<512x2048xf32>
      %reduce_min3A_121 = arith.constant dense<0x7F800000> : vector<512xf32>
      %reduce_min3A_122 = vector.multi_reduction <minimumf>, %select_n3A_120, %reduce_min3A_121 [1] : vector<512x2048xf32> to vector<512xf32>
      %broadcast_in_dim3A_123 = vector.shape_cast %reduce_min3A_122 : vector<512xf32> to vector<512x1xf32>
      %eq3A_124 = vector.broadcast %broadcast_in_dim3A_123 : vector<512x1xf32> to vector<512x2048xf32>
      %eq3A_125 = arith.cmpf oeq, %select_n3A_120, %eq3A_124 : vector<512x2048xf32>
      %jit3A_126 = arith.constant 2048 : i32
      %broadcast_in_dim3A_127 = vector.broadcast %jit3A_126 : i32 to vector<512x2048xi32>
      %select_n3A_128 = arith.select %eq3A_125, %iota3A, %broadcast_in_dim3A_127 : vector<512x2048xi1>, vector<512x2048xi32>
      %reduce_min3A_129 = arith.constant dense<2147483647> : vector<512xi32>
      %reduce_min3A_130 = vector.multi_reduction <minsi>, %select_n3A_128, %reduce_min3A_129 [1] : vector<512x2048xi32> to vector<512xi32>
      %broadcast_in_dim3A_131 = vector.shape_cast %reduce_min3A_130 : vector<512xi32> to vector<512x1xi32>
      %max3A_132 = arith.constant 1.000000e-16 : f32
      %max3A_133 = vector.broadcast %max3A_132 : f32 to vector<512x1xf32>
      %max3A_134 = arith.maximumf %broadcast_in_dim3A_123, %max3A_133 : vector<512x1xf32>
      %div3A_135 = arith.constant 1.000000e+00 : f32
      %div3A_136 = vector.broadcast %div3A_135 : f32 to vector<512x1xf32>
      %div3A_137 = arith.divf %div3A_136, %max3A_134 : vector<512x1xf32>
      %add3A_138 = arith.addf %add3A_115, %div3A_137 : vector<512x1xf32>
      %eq3A_139 = vector.broadcast %broadcast_in_dim3A_131 : vector<512x1xi32> to vector<512x2048xi32>
      %eq3A_140 = arith.cmpi eq, %iota3A, %eq3A_139 : vector<512x2048xi32>
      %jit3A_141 = arith.constant 0x7F800000 : f32
      %broadcast_in_dim3A_142 = vector.broadcast %jit3A_141 : f32 to vector<512x2048xf32>
      %select_n3A_143 = arith.select %eq3A_140, %broadcast_in_dim3A_142, %select_n3A_120 : vector<512x2048xi1>, vector<512x2048xf32>
      %reduce_min3A_144 = arith.constant dense<0x7F800000> : vector<512xf32>
      %reduce_min3A_145 = vector.multi_reduction <minimumf>, %select_n3A_143, %reduce_min3A_144 [1] : vector<512x2048xf32> to vector<512xf32>
      %broadcast_in_dim3A_146 = vector.shape_cast %reduce_min3A_145 : vector<512xf32> to vector<512x1xf32>
      %eq3A_147 = vector.broadcast %broadcast_in_dim3A_146 : vector<512x1xf32> to vector<512x2048xf32>
      %eq3A_148 = arith.cmpf oeq, %select_n3A_143, %eq3A_147 : vector<512x2048xf32>
      %jit3A_149 = arith.constant 2048 : i32
      %broadcast_in_dim3A_150 = vector.broadcast %jit3A_149 : i32 to vector<512x2048xi32>
      %select_n3A_151 = arith.select %eq3A_148, %iota3A, %broadcast_in_dim3A_150 : vector<512x2048xi1>, vector<512x2048xi32>
      %reduce_min3A_152 = arith.constant dense<2147483647> : vector<512xi32>
      %reduce_min3A_153 = vector.multi_reduction <minsi>, %select_n3A_151, %reduce_min3A_152 [1] : vector<512x2048xi32> to vector<512xi32>
      %broadcast_in_dim3A_154 = vector.shape_cast %reduce_min3A_153 : vector<512xi32> to vector<512x1xi32>
      %max3A_155 = arith.constant 1.000000e-16 : f32
      %max3A_156 = vector.broadcast %max3A_155 : f32 to vector<512x1xf32>
      %max3A_157 = arith.maximumf %broadcast_in_dim3A_146, %max3A_156 : vector<512x1xf32>
      %div3A_158 = arith.constant 1.000000e+00 : f32
      %div3A_159 = vector.broadcast %div3A_158 : f32 to vector<512x1xf32>
      %div3A_160 = arith.divf %div3A_159, %max3A_157 : vector<512x1xf32>
      %add3A_161 = arith.addf %add3A_138, %div3A_160 : vector<512x1xf32>
      %eq3A_162 = vector.broadcast %broadcast_in_dim3A_154 : vector<512x1xi32> to vector<512x2048xi32>
      %eq3A_163 = arith.cmpi eq, %iota3A, %eq3A_162 : vector<512x2048xi32>
      %jit3A_164 = arith.constant 0x7F800000 : f32
      %broadcast_in_dim3A_165 = vector.broadcast %jit3A_164 : f32 to vector<512x2048xf32>
      %select_n3A_166 = arith.select %eq3A_163, %broadcast_in_dim3A_165, %select_n3A_143 : vector<512x2048xi1>, vector<512x2048xf32>
      %eq3A_167 = arith.constant 0x7F800000 : f32
      %eq3A_168 = vector.broadcast %eq3A_167 : f32 to vector<512x2048xf32>
      %eq3A_169 = arith.cmpf oeq, %select_n3A_166, %eq3A_168 : vector<512x2048xf32>
      %max3A_170 = arith.constant 1.000000e-16 : f32
      %max3A_171 = vector.broadcast %max3A_170 : f32 to vector<512x2048xf32>
      %max3A_172 = arith.maximumf %add3A_96, %max3A_171 : vector<512x2048xf32>
      %div3A_173 = arith.constant 1.000000e+00 : f32
      %div3A_174 = vector.broadcast %div3A_173 : f32 to vector<512x2048xf32>
      %div3A_175 = arith.divf %div3A_174, %max3A_172 : vector<512x2048xf32>
      %jit3A_176 = arith.constant 0.000000e+00 : f32
      %broadcast_in_dim3A_177 = vector.broadcast %jit3A_176 : f32 to vector<512x2048xf32>
      %select_n3A_178 = arith.select %eq3A_169, %div3A_175, %broadcast_in_dim3A_177 : vector<512x2048xi1>, vector<512x2048xf32>
      %dot_general3A = arith.constant dense<0.000000e+00> : vector<512x128xf32>
      %dot_general3A_179 = tpu.matmul %select_n3A_178, %get3A_67, %dot_general3A {dimension_numbers = #tpu.dot_dimension_numbers<[1], [0], [0], [1], [0, 0, 1, 1], [], []>, transpose_lhs_hint = false} : vector<512x2048xf32>, vector<2048x128xf32>, vector<512x128xf32> -> vector<512x128xf32>
      %div3A_180 = vector.broadcast %add3A_161 : vector<512x1xf32> to vector<512x128xf32>
      %div3A_181 = arith.divf %dot_general3A_179, %div3A_180 : vector<512x128xf32>
      %swap3A = arith.constant 0 : index
      %swap3A_182 = arith.constant 0 : index
      %swap3A_183 = vector.load %arg22[%swap3A, %swap3A_182] : memref<512x128xf32, #tpu.memory_space<vmem>>, vector<512x128xf32>
      tpu.vector_store %arg22[%swap3A, %swap3A_182], %div3A_181 {strides = array<i32>} : memref<512x128xf32, #tpu.memory_space<vmem>>, vector<512x128xf32>,
    } else {
    }
    return
  }
  func.func @transform_0(%arg0: i32) -> (i32, i32) {
    %c0_i32 = arith.constant 0 : i32
    %c0_i32_0 = arith.constant 0 : i32
    %c0_i32_1 = arith.constant 0 : i32
    return %c0_i32, %c0_i32_0 : i32, i32
  }
  func.func @transform_1(%arg0: i32) -> (i32, i32) {
    %c0_i32 = arith.constant 0 : i32
    %c0_i32_0 = arith.constant 0 : i32
    %c0_i32_1 = arith.constant 0 : i32
    return %c0_i32, %c0_i32_0 : i32, i32
  }
  func.func @transform_2(%arg0: i32) -> (i32, i32) {
    %c0_i32 = arith.constant 0 : i32
    %c0_i32_0 = arith.constant 0 : i32
    %c0_i32_1 = arith.constant 0 : i32
    return %c0_i32, %c0_i32_0 : i32, i32
  }
  func.func @transform_3(%arg0: i32) -> (i32, i32) {
    %c0_i32 = arith.constant 0 : i32
    %c0_i32_0 = arith.constant 0 : i32
    %c0_i32_1 = arith.constant 0 : i32
    return %c0_i32, %c0_i32_0 : i32, i32
  }
  func.func @transform_4(%arg0: i32) -> (i32, i32) {
    %c0_i32 = arith.constant 0 : i32
    %c0_i32_0 = arith.constant 0 : i32
    %c0_i32_1 = arith.constant 0 : i32
    return %c0_i32, %c0_i32_0 : i32, i32
  }
  func.func @transform_5(%arg0: i32) -> (i32, i32) {
    %c0_i32 = arith.constant 0 : i32
    %c0_i32_0 = arith.constant 0 : i32
    %c0_i32_1 = arith.constant 0 : i32
    return %c0_i32, %c0_i32_0 : i32, i32
  }
  func.func @transform_6(%arg0: i32) -> (i32, i32) {
    %c0_i32 = arith.constant 0 : i32
    %c0_i32_0 = arith.constant 0 : i32
    %c0_i32_1 = arith.constant 0 : i32
    return %c0_i32, %c0_i32_0 : i32, i32
  }
  func.func @transform_7(%arg0: i32) -> (i32, i32) {
    %c0_i32 = arith.constant 0 : i32
    %c0_i32_0 = arith.constant 0 : i32
    %c0_i32_1 = arith.constant 0 : i32
    return %c0_i32, %c0_i32_0 : i32, i32
  }
  func.func @transform_8(%arg0: i32) -> (i32, i32) {
    %c0_i32 = arith.constant 0 : i32
    %c0_i32_0 = arith.constant 0 : i32
    %c0_i32_1 = arith.constant 0 : i32
    return %c0_i32, %c0_i32_0 : i32, i32
  }
  func.func @transform_9(%arg0: i32) -> (i32, i32) {
    %c0_i32 = arith.constant 0 : i32
    %c0_i32_0 = arith.constant 0 : i32
    %c0_i32_1 = arith.constant 0 : i32
    return %c0_i32, %c0_i32_0 : i32, i32
  }
  func.func @transform_10(%arg0: i32) -> (i32, i32) {
    %c0_i32 = arith.constant 0 : i32
    %c0_i32_0 = arith.constant 0 : i32
    %c0_i32_1 = arith.constant 0 : i32
    return %c0_i32, %c0_i32_0 : i32, i32
  }
  func.func @transform_11(%arg0: i32) -> (i32, i32) {
    %c0_i32 = arith.constant 0 : i32
    %c0_i32_0 = arith.constant 0 : i32
    %c0_i32_1 = arith.constant 0 : i32
    return %c0_i32, %c0_i32_0 : i32, i32
  }
  func.func @transform_12(%arg0: i32) -> (i32, i32) {
    %c0_i32 = arith.constant 0 : i32
    %c0_i32_0 = arith.constant 0 : i32
    %c0_i32_1 = arith.constant 0 : i32
    return %c0_i32, %c0_i32_0 : i32, i32
  }
  func.func @transform_13(%arg0: i32) -> (i32, i32) {
    %c0_i32 = arith.constant 0 : i32
    %c0_i32_0 = arith.constant 0 : i32
    %c0_i32_1 = arith.constant 0 : i32
    return %c0_i32, %c0_i32_0 : i32, i32
  }
  func.func @transform_14(%arg0: i32) -> (i32, i32) {
    %c0_i32 = arith.constant 0 : i32
    %c0_i32_0 = arith.constant 0 : i32
    %c0_i32_1 = arith.constant 0 : i32
    return %c0_i32, %c0_i32_0 : i32, i32
  }
  func.func @transform_15(%arg0: i32) -> (i32, i32) {
    %c0_i32 = arith.constant 0 : i32
    %c0_i32_0 = arith.constant 0 : i32
    %c0_i32_1 = arith.constant 0 : i32
    return %c0_i32, %c0_i32_0 : i32, i32
  }
  func.func @transform_16(%arg0: i32) -> (i32, i32) {
    %c0_i32 = arith.constant 0 : i32
    %c0_i32_0 = arith.constant 0 : i32
    %c0_i32_1 = arith.constant 0 : i32
    return %c0_i32, %c0_i32_0 : i32, i32
  }
  func.func @transform_17(%arg0: i32) -> (i32, i32) {
    %c0_i32 = arith.constant 0 : i32
    %c0_i32_0 = arith.constant 0 : i32
    return %arg0, %c0_i32 : i32, i32
  }
  func.func @transform_18(%arg0: i32) -> (i32, i32) {
    %c0_i32 = arith.constant 0 : i32
    %c0_i32_0 = arith.constant 0 : i32
    return %arg0, %c0_i32 : i32, i32
  }
  func.func @transform_19(%arg0: i32) -> (i32, i32) {
    %c0_i32 = arith.constant 0 : i32
    %c0_i32_0 = arith.constant 0 : i32
    %c0_i32_1 = arith.constant 0 : i32
    return %c0_i32, %c0_i32_0 : i32, i32
  }
  func.func @transform_20(%arg0: i32) -> (i32, i32) {
    %c0_i32 = arith.constant 0 : i32
    %c0_i32_0 = arith.constant 0 : i32
    %c0_i32_1 = arith.constant 0 : i32
    return %c0_i32, %c0_i32_0 : i32, i32
  }
  func.func @transform_21(%arg0: i32) -> (i32, i32) {
    %c0_i32 = arith.constant 0 : i32
    %c0_i32_0 = arith.constant 0 : i32
    return %arg0, %c0_i32 : i32, i32
  }
}

</mosaic_0001>

<sc_bundles>
// kernel: kernel.5.cloned.1.call-start
scs
__scs_entry_jumppad:
0x0: {  	(pc) =	sbr.rel $0x88, $3  }
0x1: {  	(tag) =	ssettag $0x0;
	lr =	simm.s32 $0x1  }
0x2: {  	[smem:$0x3F85] =	sst lr;
	_ =	strace $0xD0000000  }
0x3: {  	_ = 	snop  }
0x4: {  	_ = 	snop  }
0x5: {  	_ = 	snop  }
0x6: {  	_ = 	snop  }
0x7: {  	_ = 	snop  }
__scs_overlays_trampoline_lowered:
0x8: {  	[smem:$0x3F94] =	sst s0  }
0x9: {  	[smem:$0x3F95] =	sst s1  }
0xa: {  	[smem:$0x3F96] =	sst s2  }
0xb: {  	[smem:$0x3F97] =	sst s3  }
0xc: {  	[smem:$0x3F98] =	sst s4  }
0xd: {  	[smem:$0x3F99] =	sst s5  }
0xe: {  	[smem:$0x3F9A] =	sst s6  }
0xf: {  	[smem:$0x3F9B] =	sst s7  }
0x10: {  	[smem:$0x3F9C] =	sst s8  }
0x11: {  	[smem:$0x3F9D] =	sst s9;
	s0 =	simm.s32 @!p0 $0x0  }
0x12: {  	s1 =	sld [smem:$0x3F83];
	s0 =	simm.s32 @p0 $0x1  }
0x13: {  	[smem:$0x3F9E] =	sst s0;
	s0 =	simm.s32 @!p1 $0x0  }
0x14: {  	s2 =	sld [smem:$0x3F82];
	s0 =	simm.s32 @p1 $0x1  }
0x15: {  	[smem:$0x3F9F] =	sst s0;
	s0 =	simm.s32 @!p2 $0x0  }
0x16: {  	s3 =	sld [smem:$0x3FDB];
	s0 =	simm.s32 @p2 $0x1  }
0x17: {  	s4 =	simm.s32 $0x1BF5;
	[smem:$0x3FA1] =	sst s0  }
0x18: {  	s0 =	sld [smem:$0x3F84];
	_ =	swait.ge [sflag:s4], $0x0  }
0x19: {  	s7 =	sld [smem:$0x3F85]  }
0x1a: {  	s8 =	sadd.s32 $0xFFFFE003, lr  }
0x1b: {  	s9 =	sadd.s32 $0xFFFFFEF7, lr;
	s5 =	simm.s32 $0xFFFFFFFF;
	p2 =	slt.u32 s8, $0xFFFFF086  }
0x1c: {  	p1 =	slt.u32 s9, $0xF7A;
	s5 =	simm.s32 @!p2 $0x0  }
0x1d: {  	s5 =	simm.s32 @p1 $0x1;
	p0 =	seq.s32 s7, s2  }
0x1e: {  	s7 =	smul.u32 @!p0 $0xF7A, s2;
	p2 =	seq.s32 @!p0 s5, $0x0  }
0x1f: {  	s9 =	smul.u32 $0xF7A, s1;
	s8 =	simm.s32 @!p0 $0x1BF5;
	p2 =	por !p2, p0  }
0x20: {  	[sflag:s8] =	ssyncset.s32 @!p0 $0xFFFFF086;
	s6 =	sadd.s32 @!p0 s3, s7;
	s7 =	simm.s32 @!p0 $0x108  }
0x21: {  	s3 =	sadd.s32 s3, s9;
	s6 =	sadd.s32 @!p0 $0x88, s6;
	s7 =	simm.s32 @p2 $0x1082  }
0x22: {  	[simem:s7], [sflag:s8] =	dma.local @!p0 [hbm:s6], $0xF7A  }
0x23: {  	s9 =	sor.u32 $0xD0000000, s2;
	s6 =	simm.s32 $0x108;
	_ =	swait.ge @!p0 [sflag:s8], $0x0  }
0x24: {  	s3 =	sadd.s32 $0x88, s3;
	s6 =	simm.s32 @!p1 $0x1082;
	[sflag:s4] =	ssyncset.s32 $0xFFFFF086  }
0x25: {  	[simem:s6], [sflag:s4] =	dma.local [hbm:s3], $0xF7A  }
0x26: {  	[smem:$0x3F85] =	sst s1;
	(tag) =	ssettag s2;
	_ =	strace s9  }
0x27: {  	s1 =	sld [smem:$0x3F95]  }
0x28: {  	s2 =	sld [smem:$0x3F96]  }
0x29: {  	s4 =	sld [smem:$0x3F98]  }
0x2a: {  	p0 =	seq.s32 s5, $0x0;
	s5 =	sld [smem:$0x3F99]  }
0x2b: {  	s6 =	sld [smem:$0x3F9A]  }
0x2c: {  	s7 =	sld [smem:$0x3F9B]  }
0x2d: {  	s3 =	simm.s32 $0x108;
	s8 =	sld [smem:$0x3F9C]  }
0x2e: {  	s3 =	simm.s32 @!p0 $0x1082;
	s9 =	sld [smem:$0x3F9D]  }
0x2f: {  	lr =	sadd.s32 s0, s3;
	s0 =	sld [smem:$0x3F94]  }
0x30: {  	s3 =	sld [smem:$0x3F97]  }
0x31: {  	[smem:$0x3FA0] =	sst s10  }
0x32: {  	s10 =	sld [smem:$0x3F9E];
	_ =	sdelay $0x3  }
0x33: {  	p0 =	seq.s32 s10, $0x1;
	s10 =	sld [smem:$0x3FA0];
	_ =	sdelay $0x3  }
0x34: {  	[smem:$0x3FA0] =	sst s10  }
0x35: {  	s10 =	sld [smem:$0x3F9F];
	_ =	sdelay $0x3  }
0x36: {  	p1 =	seq.s32 s10, $0x1;
	s10 =	sld [smem:$0x3FA0];
	_ =	sdelay $0x3  }
0x37: {  	[smem:$0x3FA0] =	sst s10  }
0x38: {  	s10 =	sld [smem:$0x3FA1]  }
0x39: {  	_ = 	snop;
	(pc) =	sbr.ind lr, $3  }
0x3a: {  	_ = 	snop  }
0x3b: {  	_ = 	snop  }
0x3c: {  	p2 =	seq.s32 s10, $0x1;
	s10 =	sld [smem:$0x3FA0]  }
0x3d: {  	_ =	shalt  }
0x3e: {  	_ =	shalt  }
0x3f: {  	_ =	shalt  }
0x40: {  	_ =	shalt  }
0x41: {  	_ =	shalt  }
0x42: {  	_ =	shalt  }
0x43: {  	_ =	shalt  }
0x44: {  	_ =	shalt  }
0x45: {  	_ =	shalt  }
0x46: {  	_ =	shalt  }
0x47: {  	_ =	shalt  }
0x48: {  	_ =	shalt  }
0x49: {  	_ =	shalt  }
0x4a: {  	_ =	shalt  }
0x4b: {  	_ =	shalt  }
0x4c: {  	_ =	shalt  }
0x4d: {  	_ =	shalt  }
0x4e: {  	_ =	shalt  }
0x4f: {  	_ =	shalt  }
0x50: {  	_ =	shalt  }
0x51: {  	_ =	shalt  }
0x52: {  	_ =	shalt  }
0x53: {  	_ =	shalt  }
0x54: {  	_ =	shalt  }
0x55: {  	_ =	shalt  }
0x56: {  	_ =	shalt  }
0x57: {  	_ =	shalt  }
0x58: {  	_ =	shalt  }
0x59: {  	_ =	shalt  }
0x5a: {  	_ =	shalt  }
0x5b: {  	_ =	shalt  }
0x5c: {  	_ =	shalt  }
0x5d: {  	_ =	shalt  }
0x5e: {  	_ =	shalt  }
0x5f: {  	_ =	shalt  }
0x60: {  	_ =	shalt  }
0x61: {  	_ =	shalt  }
0x62: {  	_ =	shalt  }
0x63: {  	_ =	shalt  }
0x64: {  	_ =	shalt  }
0x65: {  	_ =	shalt  }
0x66: {  	_ =	shalt  }
0x67: {  	_ =	shalt  }
0x68: {  	_ =	shalt  }
0x69: {  	_ =	shalt  }
0x6a: {  	_ =	shalt  }
0x6b: {  	_ =	shalt  }
0x6c: {  	_ =	shalt  }
0x6d: {  	_ =	shalt  }
0x6e: {  	_ =	shalt  }
0x6f: {  	_ =	shalt  }
0x70: {  	_ =	shalt  }
0x71: {  	_ =	shalt  }
0x72: {  	_ =	shalt  }
0x73: {  	_ =	shalt  }
0x74: {  	_ =	shalt  }
0x75: {  	_ =	shalt  }
0x76: {  	_ =	shalt  }
0x77: {  	_ =	shalt  }
0x78: {  	_ =	shalt  }
0x79: {  	_ =	shalt  }
0x7a: {  	_ =	shalt  }
0x7b: {  	_ =	shalt  }
0x7c: {  	_ =	shalt  }
0x7d: {  	_ =	shalt  }
0x7e: {  	_ =	shalt  }
0x7f: {  	_ =	shalt  }
0x80: {  	_ =	shalt  }
0x81: {  	_ =	shalt  }
0x82: {  	_ =	shalt  }
0x83: {  	_ =	shalt  }
0x84: {  	_ =	shalt  }
0x85: {  	_ =	shalt  }
0x86: {  	_ =	shalt  }
0x87: {  	_ =	shalt  }
.Lfunc_end0:
.L_simem_size_0:
called_computation_lowered:
.L_overlay_start_0:
0x88: {  	s2 =	sld [smem:$0x3FD9]  }
0x89: {  	s3 =	sld [smem:$0x3FFE];
	_ =	sdelay $0x1  }
0x8a: {  	s1 =	srdreg.scid  }
0x8b: {  	s0 =	sand.u32 $0x1, s1  }
0x8c: {  	s17 =	sshll.u32 s0, $0xA;
	s2 =	sadd.s32 s3, s2  }
0x8d: {  	s2 =	sadd.s32 s2, s17  }
0x8e: {  	[smem:$0x3FAC] =	sst s2  }
0x8f: {  	_ = 	snop  }
0x90: {  	s2 =	sld [smem:$0x3FC1]  }
0x91: {  	s18 =	sld [smem:$0x3FC0];
	(tm) =	ssettm $0x1  }
0x92: {  	s4 =	sld [smem:$0x3FFB];
	_ =	sdelay $0x3  }
0x93: {  	_ =	strace s4  }
0x94: {  	s4 =	sld [smem:$0x3FFC];
	_ =	sdelay $0x3  }
0x95: {  	_ =	strace s4  }
0x96: {  	s4 =	sld [smem:$0x3FFD];
	_ =	sdelay $0x3  }
0x97: {  	_ =	strace s4  }
0x98: {  	_ =	strace $0x8FFFFFFF  }
0x99: {  	s19 =	sld [smem:$0x3FDB];
	_ =	sdelay $0x1  }
0x9a: {  	s5 =	simm.s32 $_scs_section_size  }
0x9b: {  	s6 =	simm.s32 $_size__tile_overlayer_lowered;
	s7 =	simm.s32 $_tile_overlayer_lowered  }
0x9c: {  	s22 =	simm.s32 $0x1BFF;
	s21 =	sshll.u32 s7, $0x1;
	s4 =	sadd.s32 s5, s19  }
0x9d: {  	s8 =	simm.s32 $0x0;
	s20 =	sshll.u32 s6, $0x1;
	s6 =	sadd.s32 s21, s4  }
0x9e: {  	[timem:s8], [sflag:s22] =	dma.local [hbm:s6], s20  }
0x9f: {  	_ =	swait.ge [sflag:s22], s20  }
0xa0: {  	s5 =	ssub.s32 $0x0, s20;
	[sflag:s22] =	ssyncset.done $0x0  }
0xa1: {  	[sflag:s22] =	ssyncadd.s32 s5;
	_ =	sdelay $0x1  }
0xa2: {  	s23 =	simm.s32 $0x1B8B  }
0xa3: {  	_ =	swait.ge [sflag:s23], $0x1  }
0xa4: {  	[sflag:s23] =	ssyncset.done $0x0  }
0xa5: {  	s25 =	simm.s32 $0x1B8E;
	s24 =	sld [smem:$0x3FFE];
	[sflag:s23] =	ssyncadd.s32 $0xFFFFFFFF  }
0xa6: {  	s26 =	simm.s32 $execute0_lowered;
	[smem:$0x3FD2] =	sst s25  }
0xa7: {  	s6 =	sshll.u32 s26, $0x1;
	_ =	strace $0x80000046;
	[dreg:$0x1] =	wrdreg $0xFFFFFFFF  }
0xa8: {  	s28 =	simm.s32 $_size_execute0_lowered;
	s4 =	sadd.s32 s4, s6;
	[dreg:$0x0] =	wrdreg $0x0  }
0xa9: {  	s6 =	sshll.u32 s28, $0x1;
	[dreg:$0x2] =	wrdreg s4  }
0xaa: {  	[dreg:$0x3] =	wrdreg s6  }
0xab: {  	[dreg:$0x4] =	wrdreg $0xC0  }
0xac: {  	_ =	task [dreg:s8], $0x5FFFF  }
0xad: {  	[dreg:$0x1] =	wrdreg $0xFFFFFFFF  }
0xae: {  	[dreg:$0x0] =	wrdreg $0x60  }
0xaf: {  	[dreg:$0x2] =	wrdreg s18  }
0xb0: {  	[dreg:$0x3] =	wrdreg s2  }
0xb1: {  	[dreg:$0x4] =	wrdreg s24  }
0xb2: {  	[dreg:$0x5] =	wrdreg $0x9  }
0xb3: {  	_ =	task.clear_ibuf [dreg:s8], $0x6FFFF;
	_ =	strace $0x90000046  }
0xb4: {  	s29 =	simm.s32 $0x9;
	_ =	strace $0x80000048  }
0xb5: {  	_ =	swait.ge [sflag:s29], $0x1  }
0xb6: {  	[sflag:s29] =	ssyncadd.s32 $0xFFFFFFFF  }
0xb7: {  	_ =	strace $0x90000048  }
0xb8: {  	_ =	sfence  }
0xb9: {  	s30 =	sld [smem:$0x0];
	_ =	sdelay $0x2  }
0xba: {  	s31 =	sshll.u32 s1, $0xD;
	s1 =	sshrl.u32 s1, $0x2  }
0xbb: {  	s3 =	sand.u32 $0x4000, s31;
	s1 =	sadd.s32 s1, s30  }
0xbc: {  	s0 =	sor.u32 s3, s0;
	s1 =	sshll.u32 s1, $0x11  }
0xbd: {  	s0 =	sor.u32 s1, s0  }
0xbe: {  	s0 =	sadd.s32 $0x8F2B, s0  }
0xbf: {  	[sflag:s0] =	ssyncadd.remote.s32 $0x1  }
0xc0: {  	_ =	sfence.sel $0xFFFF  }
0xc1: {  	[dreg:$0x0] =	wrdreg $0xFFFFFFFF;
	(pc) =	sbr.abs _section_cstart, $3  }
0xc2: {  	[dreg:$0x1] =	wrdreg $0xFFFFFFFF  }
0xc3: {  	_ =	task.clear_ibuf [dreg:s8], $0x2FFFF;
	_ =	strace $0x9FFFFFFF  }
0xc4: {  	(tm) =	ssettm $0x7FFFFFFF  }
0xc5: {  	_ =	shalt  }
tec
execute0_lowered:
.L_overlay_start_1:
0x0: {  	(tag) =	ssettag $0x1  }
0x1: {  	s1 =	rddreg [dreg:$0x0];
	s2 =	srdreg.scid  }
0x2: {  	s4 =	rddreg [dreg:$0x1];
	s0 =	stileid.u32;
	s16 =	sand.u32 $0x1, s2  }
0x3: {  	s18 =	rddreg [dreg:$0x2];
	s5 =	sshll.u32 s0, $0x5;
	s6 =	sshll.u32 s16, $0x4  }
0x4: {  	s3 =	simm.s32 $0x0;
	s2 =	rddreg [dreg:$0x3];
	s19 =	sor.u32 s6, s5  }
0x5: {  	[smem:$0x7FF] =	sst s3;
	s5 =	sshrl.u32 s19, $0x3  }
0x6: {  	_ =	strace $0x80000047;
	s5 =	sadd.s32 s4, s5;
	s4 =	simm.s32 $0x2  }
0x7: {  	[tilespmem:s3], [sflag:$0x2] =	stream.linear.gather [hbm4b:s5+s3], $0x10, $0x38;
	[tilespmem:$0x4080] =	vst v63  }
0x8: {  	_ =	swait.ge [sflag:s4], $0x10  }
0x9: {  	[sflag:s4] =	ssyncset.done $0x0  }
0xa: {  	[sflag:s4] =	ssyncadd.s32 $0xFFFFFFF0  }
0xb: {  	v0 =	vld [tilespmem:$0x0];
	_ =	sdelay $0x4  }
0xc: {  	v1 =	vshll.u32 v0, $0x3  }
0xd: {  	v2 =	vlaneseq.u32;
	v3 =	vand.u32 $0x7, v0;
	v1 =	vand.u32 $0xFFFFFFC0, v1  }
0xe: {  	v4 =	vshrl.u32 v2, $0x3;
	v0 =	vand.u32 $0x7, v2;
	v3 =	vor.u32 v3, v1  }
0xf: {  	v1 =	vmul.u32 $0x8, v4;
	v63 =	vperm.xlane v3, v0;
	_ =	sdelay $0x1  }
0x10: {  	v4 =	vadd.s32 v1, v63;
	_ =	sdelay $0x3  }
0x11: {  	vm0 =	vmmov $0xffff;
	s6 =	simm.s32 $0x80  }
0x12: {  	v2 =	vor.u32 $0x8, v2;
	[tilespmem:s6], [sflag:$0x1] =	stream.indirect_vreg.gather [hbm4b:s1+s3], $0x80, v4, vm0, $0xb8;
	[tilespmem:$0x4080] =	vst v63  }
0x13: {  	s8 =	simm.s32 $0x880;
	s7 =	sadd.s32 $0x100, s1;
	v3 =	vperm.xlane v3, v2  }
0x14: {  	[tilespmem:s8], [sflag:$0x1] =	stream.indirect_vreg.gather [hbm4b:s7+s3], $0x80, v4, vm0, $0xb8;
	[tilespmem:$0x4080] =	vst v63  }
0x15: {  	s10 =	simm.s32 $0x1080;
	s9 =	sadd.s32 $0x200, s1;
	v3 =	vadd.s32 v1, v3  }
0x16: {  	[tilespmem:s10], [sflag:$0x1] =	stream.indirect_vreg.gather [hbm4b:s9+s3], $0x80, v4, vm0, $0xb8;
	[tilespmem:$0x4080] =	vst v63  }
0x17: {  	s12 =	simm.s32 $0x1880;
	s11 =	sadd.s32 $0x300, s1  }
0x18: {  	[tilespmem:s12], [sflag:$0x1] =	stream.indirect_vreg.gather [hbm4b:s11+s3], $0x80, v4, vm0, $0xb8;
	[tilespmem:$0x4080] =	vst v63  }
0x19: {  	s13 =	simm.s32 $0x2080;
	s20 =	ssub.s32 $0x2, s16  }
0x1a: {  	[tilespmem:s13], [sflag:$0x1] =	stream.indirect_vreg.gather [hbm4b:s1+s3], $0x80, v3, vm0, $0xb8;
	[tilespmem:$0x4080] =	vst v63  }
0x1b: {  	s14 =	simm.s32 $0x2880;
	s15 =	simm.s32 $0x3080;
	s21 =	sshrl.u32 s20, $0x1  }
0x1c: {  	[tilespmem:s14], [sflag:$0x1] =	stream.indirect_vreg.gather [hbm4b:s7+s3], $0x80, v3, vm0, $0xb8;
	[tilespmem:$0x4080] =	vst v63  }
0x1d: {  	s17 =	simm.s32 $0x1;
	s19 =	sshll.u32 s19, $0x7;
	s31 =	ssub.s32 s20, s21  }
0x1e: {  	[tilespmem:s15], [sflag:$0x1] =	stream.indirect_vreg.gather [hbm4b:s9+s3], $0x80, v3, vm0, $0xb8;
	[tilespmem:$0x4080] =	vst v63  }
0x1f: {  	s16 =	simm.s32 $0x3880;
	s18 =	sadd.s32 s19, s18;
	s19 =	smax.u32 s31, $0x1  }
0x20: {  	[tilespmem:s16], [sflag:$0x1] =	stream.indirect_vreg.gather [hbm4b:s11+s3], $0x80, v3, vm0, $0xb8;
	[tilespmem:$0x4080] =	vst v63  }
0x21: {  	p0 =	sne.s32 s19, $0x1;
	_ =	swait.ge [sflag:s17], $0x4000  }
.Ltmp0:
0x22: {  	[sflag:s17] =	ssyncset.done $0x0;
	(pc) =	sbr.rel @!p0 .LBB2_2-.Ltmp0, $4  }
0x23: {  	s18 =	sadd.s32 $0x3A00, s18;
	[sflag:s17] =	ssyncadd.s32 $0xFFFFC000  }
0x24: {  	[hbm4b:s18+s3] =	stream.linear.scatter [tilespmem:s6], [sflag:$0x2], $0x4000, $0x38;
	[tilespmem:$0x4080] =	vst v63  }
0x25: {  	_ =	swait.ge [sflag:s4], $0x4000  }
0x26: {  	s19 =	sadd.s32 $0xFFFFFFFF, s19;
	[sflag:s4] =	ssyncset.done $0x0  }
.LBB2_1:
0x27: {  	p0 =	sne.s32 s19, $0x1;
	s19 =	sadd.s32 $0xFFFFFFFF, s19;
	[sflag:s4] =	ssyncadd.s32 $0xFFFFC000  }
0x28: {  	[tilespmem:s3], [sflag:$0x2] =	stream.linear.gather [hbm4b:s5+s3], $0x10, $0x38;
	[tilespmem:$0x4080] =	vst v63  }
0x29: {  	_ =	swait.ge [sflag:s4], $0x10  }
0x2a: {  	[sflag:s4] =	ssyncset.done $0x0  }
0x2b: {  	[sflag:s4] =	ssyncadd.s32 $0xFFFFFFF0  }
0x2c: {  	v3 =	vld [tilespmem:$0x0];
	_ =	sdelay $0x4  }
0x2d: {  	v4 =	vshll.u32 v3, $0x3  }
0x2e: {  	v3 =	vand.u32 $0x7, v3;
	v4 =	vand.u32 $0xFFFFFFC0, v4  }
0x2f: {  	v3 =	vor.u32 v3, v4  }
0x30: {  	v4 =	vperm.xlane v3, v0;
	v3 =	vperm.xlane v3, v2;
	_ =	sdelay $0x1  }
0x31: {  	v4 =	vadd.s32 v1, v4;
	_ =	sdelay $0x4  }
0x32: {  	[tilespmem:s6], [sflag:$0x1] =	stream.indirect_vreg.gather [hbm4b:s1+s3], $0x80, v4, vm0, $0xb8;
	[tilespmem:$0x4080] =	vst v63  }
0x33: {  	_ = 	snop  }
0x34: {  	[tilespmem:s8], [sflag:$0x1] =	stream.indirect_vreg.gather [hbm4b:s7+s3], $0x80, v4, vm0, $0xb8;
	[tilespmem:$0x4080] =	vst v63  }
0x35: {  	v3 =	vadd.s32 v1, v3  }
0x36: {  	[tilespmem:s10], [sflag:$0x1] =	stream.indirect_vreg.gather [hbm4b:s9+s3], $0x80, v4, vm0, $0xb8;
	[tilespmem:$0x4080] =	vst v63  }
0x37: {  	_ = 	snop  }
0x38: {  	[tilespmem:s12], [sflag:$0x1] =	stream.indirect_vreg.gather [hbm4b:s11+s3], $0x80, v4, vm0, $0xb8;
	[tilespmem:$0x4080] =	vst v63  }
0x39: {  	_ = 	snop  }
0x3a: {  	[tilespmem:s13], [sflag:$0x1] =	stream.indirect_vreg.gather [hbm4b:s1+s3], $0x80, v3, vm0, $0xb8;
	[tilespmem:$0x4080] =	vst v63  }
0x3b: {  	_ = 	snop  }
0x3c: {  	[tilespmem:s14], [sflag:$0x1] =	stream.indirect_vreg.gather [hbm4b:s7+s3], $0x80, v3, vm0, $0xb8;
	[tilespmem:$0x4080] =	vst v63  }
0x3d: {  	_ = 	snop  }
0x3e: {  	[tilespmem:s15], [sflag:$0x1] =	stream.indirect_vreg.gather [hbm4b:s9+s3], $0x80, v3, vm0, $0xb8;
	[tilespmem:$0x4080] =	vst v63  }
0x3f: {  	_ = 	snop  }
0x40: {  	[tilespmem:s16], [sflag:$0x1] =	stream.indirect_vreg.gather [hbm4b:s11+s3], $0x80, v3, vm0, $0xb8;
	[tilespmem:$0x4080] =	vst v63  }
0x41: {  	_ =	swait.ge [sflag:s17], $0x4000  }
.Ltmp1:
0x42: {  	[sflag:s17] =	ssyncset.done $0x0;
	(pc) =	sbr.rel @p0 .LBB2_1-.Ltmp1, $4  }
0x43: {  	[sflag:s17] =	ssyncadd.s32 $0xFFFFC000  }
0x44: {  	[hbm4b:s18+s3] =	stream.linear.scatter [tilespmem:s6], [sflag:$0x2], $0x4000, $0x38;
	[tilespmem:$0x4080] =	vst v63  }
0x45: {  	_ =	swait.ge [sflag:s4], $0x4000  }
0x46: {  	[sflag:s4] =	ssyncset.done $0x0  }
.LBB2_2:
0x47: {  	[sflag:s4] =	ssyncadd.s32 $0xFFFFC000  }
0x48: {  	_ =	sfence.sel $0x180000  }
0x49: {  	[bflag:$0x0] =	sbarrier.arrive $0xFFFF  }
0x4a: {  	p0 =	sne.s32 s0, $0x0;
	_ =	strace $0x90000047  }
0x4b: {  	s0 =	sadd.s32 @!p0 $0x100000, s2;
	[bflag:$0x2] =	sbarrier.arrive $0xFFFF  }
0x4c: {  	[sflag:s0] =	ssyncadd.tile.s32 @!p0 $0x1;
	_ =	shalt  }
.Lfunc_end2:
_tile_overlayer_lowered:
.L_overlay_start_2:
0x4d: {  	(tag) =	ssettag $0x2  }
0x4e: {  	s0 =	rddreg [dreg:$0x0];
	s2 =	stileid.u32  }
0x4f: {  	s1 =	rddreg [dreg:$0x1];
	p0 =	sne.s32 s2, $0x0  }
0x50: {  	s3 =	rddreg [dreg:$0x2];
	[bflag:$0x3] =	sbarrier.arrive $0xFFFF;
	s2 =	simm.s32 @!p0 $0x1C02  }
0x51: {  	[timem:s3], [sflag:s2] =	dma.local @!p0 [hbm:s0], s1  }
0x52: {  	s0 =	simm.s32 @!p0 $0x2  }
0x53: {  	_ =	swait.ge @!p0 [sflag:s0], s1  }
0x54: {  	s1 =	ssub.s32 @!p0 $0x0, s1;
	[sflag:s0] =	ssyncset.done @!p0 $0x0  }
0x55: {  	[sflag:s0] =	ssyncadd.s32 @!p0 s1  }
0x56: {  	[bflag:$0x3] =	sbarrier.arrive $0xFFFF  }
0x57: {  	_ =	shalt  }

</sc_bundles>
